<compile_context>
chip_gen: v7x
topology: tpu7x:2x2x1
jax: 0.10.2.dev20260603
libtpu: 0.0.44.dev20260713+nightly
codegen_flags: <defaults>
</compile_context>

<pallas_src>
import functools

import jax
import jax.numpy as jnp
from jax import lax
from jax.experimental import pallas as pl
from jax.experimental.pallas import tpu as pltpu
from jax.experimental.pallas import tpu_sc as plsc

EMBED_DIM = 128
BATCH = 4096
HIST = 50
B_TOTAL = BATCH * HIST
NUM_CORES = 2
NUM_SUBCORES = 16
NW = NUM_CORES * NUM_SUBCORES
B_PER_W = B_TOTAL // NW
NBUF = 10
CHUNK = 64
N_CHUNKS = B_PER_W // CHUNK
N_GROUPS = N_CHUNKS // NBUF

_mesh = plsc.VectorSubcoreMesh(core_axis_name="c", subcore_axis_name="s")


@functools.partial(
    pl.kernel,
    mesh=_mesh,
    out_type=jax.ShapeDtypeStruct((B_TOTAL, EMBED_DIM), jnp.float32),
    scratch_types=[
        pltpu.VMEM((B_PER_W,), jnp.int32),
        pltpu.VMEM((NBUF, CHUNK, EMBED_DIM), jnp.float32),
        *([pltpu.SemaphoreType.DMA] * (2 * NBUF)),
    ],
)
def _gather_kernel(idx_hbm, table_hbm, out_hbm, idx_v, rows_v, *sems):
    gsem = sems[:NBUF]
    wsem = sems[NBUF:]
    wid = lax.axis_index("s") * NUM_CORES + lax.axis_index("c")
    base = wid * B_PER_W
    pltpu.sync_copy(idx_hbm.at[pl.ds(base, B_PER_W)], idx_v)

    def start_gather(i, b):
        pltpu.async_copy(
            table_hbm.at[idx_v.at[pl.ds(i * CHUNK, CHUNK)]],
            rows_v.at[b], gsem[b])

    def wait_gather(b):
        pltpu.make_async_copy(
            table_hbm.at[idx_v.at[pl.ds(0, CHUNK)]],
            rows_v.at[b], gsem[b]).wait()

    def start_write(i, b):
        pltpu.async_copy(
            rows_v.at[b], out_hbm.at[pl.ds(base + i * CHUNK, CHUNK)],
            wsem[b])

    def wait_write(b):
        pltpu.make_async_copy(
            rows_v.at[b], out_hbm.at[pl.ds(base, CHUNK)], wsem[b]).wait()

    for b in range(NBUF):
        start_gather(b, b)

    def group(j, carry):
        for b in range(NBUF):
            wait_gather(b)
            start_write(j * NBUF + b, b)

        @pl.when(j < N_GROUPS - 1)
        def _prefetch():
            for b in range(NBUF):
                wait_write(b)
                start_gather((j + 1) * NBUF + b, b)

        return carry

    lax.fori_loop(0, N_GROUPS, group, 0)

    for b in range(NBUF):
        wait_write(b)


def kernel(x, table):
    idx = x.T.reshape(B_TOTAL).astype(jnp.int32)
    out = _gather_kernel(idx, table)
    return out.reshape(HIST, BATCH, EMBED_DIM).transpose(1, 0, 2)

# --- scband reference (transcript-rebuilt; emitter-appended) ---
"""Pipeline reference for scband-normal-embedding-72267119722896 (READ-ONLY COPY).

The authoritative reference and input builder live on the scoring server;
editing this copy changes nothing except your own understanding.
"""

import jax, jax.numpy as jnp
import numpy as np

NUM_EMBED = 100000
EMBED_DIM = 128
BATCH = 4096
HIST = 50

def setup_inputs(seed: int = 0) -> dict:
    key = jax.random.key(seed)
    k1, k2 = jax.random.split(key)
    x = jax.random.randint(k1, (BATCH, HIST), 0, NUM_EMBED, dtype=jnp.int64 if jax.config.jax_enable_x64 else jnp.int32)
    # embedding table initialized ~ N(0, 1) scaled like typical init_embedding (normal with small std)
    table = jax.random.normal(k2, (NUM_EMBED, EMBED_DIM), dtype=jnp.float32) * 0.02
    return {"x": x, "table": table}

def reference(x, table):
    # drop_ratio = 0 -> no dropout; forward is a pure embedding lookup
    out = jnp.take(table, x, axis=0)
    return out

if __name__ == "__main__":
    import jax
    _d = setup_inputs()
    print(jax.jit(kernel)(*tuple(_d.values())))

</pallas_src>

<mosaic_0001>
#map = affine_map<(d0, d1) -> (0)>
#map1 = affine_map<(d0, d1) -> (0, 0)>
module attributes {stable_mosaic.version = 14 : i64} {
  func.func @_gather_kernel(%arg0: i32, %arg1: i32, %arg2: memref<204800xi32, #tpu.memory_space<hbm>>, %arg3: memref<100000x128xf32, #tpu.memory_space<hbm>>, %arg4: memref<204800x128xf32, #tpu.memory_space<hbm>>, %arg5: memref<6400xi32, #tpu.memory_space<vmem>>, %arg6: memref<10x64x128xf32, #tpu.memory_space<vmem>>, %arg7: memref<!tpu.dma_semaphore, #tpu.memory_space<semaphore_mem>>, %arg8: memref<!tpu.dma_semaphore, #tpu.memory_space<semaphore_mem>>, %arg9: memref<!tpu.dma_semaphore, #tpu.memory_space<semaphore_mem>>, %arg10: memref<!tpu.dma_semaphore, #tpu.memory_space<semaphore_mem>>, %arg11: memref<!tpu.dma_semaphore, #tpu.memory_space<semaphore_mem>>, %arg12: memref<!tpu.dma_semaphore, #tpu.memory_space<semaphore_mem>>, %arg13: memref<!tpu.dma_semaphore, #tpu.memory_space<semaphore_mem>>, %arg14: memref<!tpu.dma_semaphore, #tpu.memory_space<semaphore_mem>>, %arg15: memref<!tpu.dma_semaphore, #tpu.memory_space<semaphore_mem>>, %arg16: memref<!tpu.dma_semaphore, #tpu.memory_space<semaphore_mem>>, %arg17: memref<!tpu.dma_semaphore, #tpu.memory_space<semaphore_mem>>, %arg18: memref<!tpu.dma_semaphore, #tpu.memory_space<semaphore_mem>>, %arg19: memref<!tpu.dma_semaphore, #tpu.memory_space<semaphore_mem>>, %arg20: memref<!tpu.dma_semaphore, #tpu.memory_space<semaphore_mem>>, %arg21: memref<!tpu.dma_semaphore, #tpu.memory_space<semaphore_mem>>, %arg22: memref<!tpu.dma_semaphore, #tpu.memory_space<semaphore_mem>>, %arg23: memref<!tpu.dma_semaphore, #tpu.memory_space<semaphore_mem>>, %arg24: memref<!tpu.dma_semaphore, #tpu.memory_space<semaphore_mem>>, %arg25: memref<!tpu.dma_semaphore, #tpu.memory_space<semaphore_mem>>, %arg26: memref<!tpu.dma_semaphore, #tpu.memory_space<semaphore_mem>>) attributes {dimension_semantics = [#tpu.dimension_semantics<core_parallel>, #tpu.dimension_semantics<subcore_parallel>], iteration_bounds = array<i64: 2, 16>, scalar_prefetch = 0 : i64, scratch_operands = 22 : i64, tpu.core_type = #tpu.core_type<sc_vector_subcore>, window_params = [{transform_indices = #map}, {transform_indices = #map1}, {transform_indices = #map1}]} {
    %mul3A = arith.constant 2 : i32
    %mul3A_0 = arith.muli %arg1, %mul3A : i32
    %add3A = arith.addi %mul3A_0, %arg0 : i32
    %mul3A_1 = arith.constant 6400 : i32
    %mul3A_2 = arith.muli %add3A, %mul3A_1 : i32
    "tpu.region"() ({
      %run_scoped3A = tpu.sem_alloc : memref<!tpu.dma_semaphore, #tpu.memory_space<semaphore_mem>>
      %dma_start3A_236 = tpu.memref_slice %arg2[%mul3A_2] : memref<204800xi32, #tpu.memory_space<hbm>> -> memref<6400xi32, #tpu.memory_space<hbm>>
      %dma_start3A_237 = tpu.memref_slice %arg2[%mul3A_2] : memref<204800xi32, #tpu.memory_space<hbm>> -> memref<6400xi32, #tpu.memory_space<hbm>>
      tpu.enqueue_dma source(%dma_start3A_237 : memref<6400xi32, #tpu.memory_space<hbm>>) target(%arg5 : memref<6400xi32, #tpu.memory_space<vmem>>) target_semaphore(%run_scoped3A : memref<!tpu.dma_semaphore, #tpu.memory_space<semaphore_mem>>)
      %dma_wait3A_238 = tpu.memref_slice %arg2[%mul3A_2] : memref<204800xi32, #tpu.memory_space<hbm>> -> memref<6400xi32, #tpu.memory_space<hbm>>
      %dma_wait3A_239 = tpu.memref_slice %arg2[%mul3A_2] : memref<204800xi32, #tpu.memory_space<hbm>> -> memref<6400xi32, #tpu.memory_space<hbm>>
      tpu.wait_dma2 semaphore(%run_scoped3A : memref<!tpu.dma_semaphore, #tpu.memory_space<semaphore_mem>>) src(%dma_wait3A_239 : memref<6400xi32, #tpu.memory_space<hbm>>) dst(%arg5 : memref<6400xi32, #tpu.memory_space<vmem>>)
      tpu.yield
    }) : () -> ()
    %dma_start3A = arith.constant 0 : i32
    %dma_start3A_3 = arith.constant 0 : i32
    %dma_start3A_4 = arith.constant 0 : i32
    %dma_start3A_5 = tpu.memref_slice %arg6[%dma_start3A, %dma_start3A_3, %dma_start3A_4] : memref<10x64x128xf32, #tpu.memory_space<vmem>> -> memref<1x64x128xf32, #tpu.memory_space<vmem>>
    %dma_start3A_6 = tpu.memref_squeeze %dma_start3A_5 : memref<1x64x128xf32, #tpu.memory_space<vmem>> -> memref<64x128xf32, #tpu.memory_space<vmem>>
    %dma_start3A_7 = arith.constant 0 : i32
    %dma_start3A_8 = tpu.memref_slice %arg5[%dma_start3A_7] : memref<6400xi32, #tpu.memory_space<vmem>> -> memref<64xi32, #tpu.memory_space<vmem>>
    %dma_start3A_9 = arith.constant 0 : i32
    %dma_start3A_10 = arith.constant 0 : i32
    %dma_start3A_11 = tpu.memref_slice %arg3[%dma_start3A_9, %dma_start3A_10] : memref<100000x128xf32, #tpu.memory_space<hbm>> -> memref<100000x128xf32, #tpu.memory_space<hbm>>
    tpu.enqueue_indirect_dma source(%dma_start3A_11 : memref<100000x128xf32, #tpu.memory_space<hbm>>) target(%dma_start3A_6 : memref<64x128xf32, #tpu.memory_space<vmem>>) offsets(%dma_start3A_8 : memref<64xi32, #tpu.memory_space<vmem>>) semaphore(%arg7 : memref<!tpu.dma_semaphore, #tpu.memory_space<semaphore_mem>>)
    %dma_start3A_12 = arith.constant 1 : i32
    %dma_start3A_13 = arith.constant 0 : i32
    %dma_start3A_14 = arith.constant 0 : i32
    %dma_start3A_15 = tpu.memref_slice %arg6[%dma_start3A_12, %dma_start3A_13, %dma_start3A_14] : memref<10x64x128xf32, #tpu.memory_space<vmem>> -> memref<1x64x128xf32, #tpu.memory_space<vmem>>
    %dma_start3A_16 = tpu.memref_squeeze %dma_start3A_15 : memref<1x64x128xf32, #tpu.memory_space<vmem>> -> memref<64x128xf32, #tpu.memory_space<vmem>>
    %dma_start3A_17 = arith.constant 64 : i32
    %dma_start3A_18 = tpu.memref_slice %arg5[%dma_start3A_17] : memref<6400xi32, #tpu.memory_space<vmem>> -> memref<64xi32, #tpu.memory_space<vmem>>
    %dma_start3A_19 = arith.constant 0 : i32
    %dma_start3A_20 = arith.constant 0 : i32
    %dma_start3A_21 = tpu.memref_slice %arg3[%dma_start3A_19, %dma_start3A_20] : memref<100000x128xf32, #tpu.memory_space<hbm>> -> memref<100000x128xf32, #tpu.memory_space<hbm>>
    tpu.enqueue_indirect_dma source(%dma_start3A_21 : memref<100000x128xf32, #tpu.memory_space<hbm>>) target(%dma_start3A_16 : memref<64x128xf32, #tpu.memory_space<vmem>>) offsets(%dma_start3A_18 : memref<64xi32, #tpu.memory_space<vmem>>) semaphore(%arg8 : memref<!tpu.dma_semaphore, #tpu.memory_space<semaphore_mem>>)
    %dma_start3A_22 = arith.constant 2 : i32
    %dma_start3A_23 = arith.constant 0 : i32
    %dma_start3A_24 = arith.constant 0 : i32
    %dma_start3A_25 = tpu.memref_slice %arg6[%dma_start3A_22, %dma_start3A_23, %dma_start3A_24] : memref<10x64x128xf32, #tpu.memory_space<vmem>> -> memref<1x64x128xf32, #tpu.memory_space<vmem>>
    %dma_start3A_26 = tpu.memref_squeeze %dma_start3A_25 : memref<1x64x128xf32, #tpu.memory_space<vmem>> -> memref<64x128xf32, #tpu.memory_space<vmem>>
    %dma_start3A_27 = arith.constant 128 : i32
    %dma_start3A_28 = tpu.memref_slice %arg5[%dma_start3A_27] : memref<6400xi32, #tpu.memory_space<vmem>> -> memref<64xi32, #tpu.memory_space<vmem>>
    %dma_start3A_29 = arith.constant 0 : i32
    %dma_start3A_30 = arith.constant 0 : i32
    %dma_start3A_31 = tpu.memref_slice %arg3[%dma_start3A_29, %dma_start3A_30] : memref<100000x128xf32, #tpu.memory_space<hbm>> -> memref<100000x128xf32, #tpu.memory_space<hbm>>
    tpu.enqueue_indirect_dma source(%dma_start3A_31 : memref<100000x128xf32, #tpu.memory_space<hbm>>) target(%dma_start3A_26 : memref<64x128xf32, #tpu.memory_space<vmem>>) offsets(%dma_start3A_28 : memref<64xi32, #tpu.memory_space<vmem>>) semaphore(%arg9 : memref<!tpu.dma_semaphore, #tpu.memory_space<semaphore_mem>>)
    %dma_start3A_32 = arith.constant 3 : i32
    %dma_start3A_33 = arith.constant 0 : i32
    %dma_start3A_34 = arith.constant 0 : i32
    %dma_start3A_35 = tpu.memref_slice %arg6[%dma_start3A_32, %dma_start3A_33, %dma_start3A_34] : memref<10x64x128xf32, #tpu.memory_space<vmem>> -> memref<1x64x128xf32, #tpu.memory_space<vmem>>
    %dma_start3A_36 = tpu.memref_squeeze %dma_start3A_35 : memref<1x64x128xf32, #tpu.memory_space<vmem>> -> memref<64x128xf32, #tpu.memory_space<vmem>>
    %dma_start3A_37 = arith.constant 192 : i32
    %dma_start3A_38 = tpu.memref_slice %arg5[%dma_start3A_37] : memref<6400xi32, #tpu.memory_space<vmem>> -> memref<64xi32, #tpu.memory_space<vmem>>
    %dma_start3A_39 = arith.constant 0 : i32
    %dma_start3A_40 = arith.constant 0 : i32
    %dma_start3A_41 = tpu.memref_slice %arg3[%dma_start3A_39, %dma_start3A_40] : memref<100000x128xf32, #tpu.memory_space<hbm>> -> memref<100000x128xf32, #tpu.memory_space<hbm>>
    tpu.enqueue_indirect_dma source(%dma_start3A_41 : memref<100000x128xf32, #tpu.memory_space<hbm>>) target(%dma_start3A_36 : memref<64x128xf32, #tpu.memory_space<vmem>>) offsets(%dma_start3A_38 : memref<64xi32, #tpu.memory_space<vmem>>) semaphore(%arg10 : memref<!tpu.dma_semaphore, #tpu.memory_space<semaphore_mem>>)
    %dma_start3A_42 = arith.constant 4 : i32
    %dma_start3A_43 = arith.constant 0 : i32
    %dma_start3A_44 = arith.constant 0 : i32
    %dma_start3A_45 = tpu.memref_slice %arg6[%dma_start3A_42, %dma_start3A_43, %dma_start3A_44] : memref<10x64x128xf32, #tpu.memory_space<vmem>> -> memref<1x64x128xf32, #tpu.memory_space<vmem>>
    %dma_start3A_46 = tpu.memref_squeeze %dma_start3A_45 : memref<1x64x128xf32, #tpu.memory_space<vmem>> -> memref<64x128xf32, #tpu.memory_space<vmem>>
    %dma_start3A_47 = arith.constant 256 : i32
    %dma_start3A_48 = tpu.memref_slice %arg5[%dma_start3A_47] : memref<6400xi32, #tpu.memory_space<vmem>> -> memref<64xi32, #tpu.memory_space<vmem>>
    %dma_start3A_49 = arith.constant 0 : i32
    %dma_start3A_50 = arith.constant 0 : i32
    %dma_start3A_51 = tpu.memref_slice %arg3[%dma_start3A_49, %dma_start3A_50] : memref<100000x128xf32, #tpu.memory_space<hbm>> -> memref<100000x128xf32, #tpu.memory_space<hbm>>
    tpu.enqueue_indirect_dma source(%dma_start3A_51 : memref<100000x128xf32, #tpu.memory_space<hbm>>) target(%dma_start3A_46 : memref<64x128xf32, #tpu.memory_space<vmem>>) offsets(%dma_start3A_48 : memref<64xi32, #tpu.memory_space<vmem>>) semaphore(%arg11 : memref<!tpu.dma_semaphore, #tpu.memory_space<semaphore_mem>>)
    %dma_start3A_52 = arith.constant 5 : i32
    %dma_start3A_53 = arith.constant 0 : i32
    %dma_start3A_54 = arith.constant 0 : i32
    %dma_start3A_55 = tpu.memref_slice %arg6[%dma_start3A_52, %dma_start3A_53, %dma_start3A_54] : memref<10x64x128xf32, #tpu.memory_space<vmem>> -> memref<1x64x128xf32, #tpu.memory_space<vmem>>
    %dma_start3A_56 = tpu.memref_squeeze %dma_start3A_55 : memref<1x64x128xf32, #tpu.memory_space<vmem>> -> memref<64x128xf32, #tpu.memory_space<vmem>>
    %dma_start3A_57 = arith.constant 320 : i32
    %dma_start3A_58 = tpu.memref_slice %arg5[%dma_start3A_57] : memref<6400xi32, #tpu.memory_space<vmem>> -> memref<64xi32, #tpu.memory_space<vmem>>
    %dma_start3A_59 = arith.constant 0 : i32
    %dma_start3A_60 = arith.constant 0 : i32
    %dma_start3A_61 = tpu.memref_slice %arg3[%dma_start3A_59, %dma_start3A_60] : memref<100000x128xf32, #tpu.memory_space<hbm>> -> memref<100000x128xf32, #tpu.memory_space<hbm>>
    tpu.enqueue_indirect_dma source(%dma_start3A_61 : memref<100000x128xf32, #tpu.memory_space<hbm>>) target(%dma_start3A_56 : memref<64x128xf32, #tpu.memory_space<vmem>>) offsets(%dma_start3A_58 : memref<64xi32, #tpu.memory_space<vmem>>) semaphore(%arg12 : memref<!tpu.dma_semaphore, #tpu.memory_space<semaphore_mem>>)
    %dma_start3A_62 = arith.constant 6 : i32
    %dma_start3A_63 = arith.constant 0 : i32
    %dma_start3A_64 = arith.constant 0 : i32
    %dma_start3A_65 = tpu.memref_slice %arg6[%dma_start3A_62, %dma_start3A_63, %dma_start3A_64] : memref<10x64x128xf32, #tpu.memory_space<vmem>> -> memref<1x64x128xf32, #tpu.memory_space<vmem>>
    %dma_start3A_66 = tpu.memref_squeeze %dma_start3A_65 : memref<1x64x128xf32, #tpu.memory_space<vmem>> -> memref<64x128xf32, #tpu.memory_space<vmem>>
    %dma_start3A_67 = arith.constant 384 : i32
    %dma_start3A_68 = tpu.memref_slice %arg5[%dma_start3A_67] : memref<6400xi32, #tpu.memory_space<vmem>> -> memref<64xi32, #tpu.memory_space<vmem>>
    %dma_start3A_69 = arith.constant 0 : i32
    %dma_start3A_70 = arith.constant 0 : i32
    %dma_start3A_71 = tpu.memref_slice %arg3[%dma_start3A_69, %dma_start3A_70] : memref<100000x128xf32, #tpu.memory_space<hbm>> -> memref<100000x128xf32, #tpu.memory_space<hbm>>
    tpu.enqueue_indirect_dma source(%dma_start3A_71 : memref<100000x128xf32, #tpu.memory_space<hbm>>) target(%dma_start3A_66 : memref<64x128xf32, #tpu.memory_space<vmem>>) offsets(%dma_start3A_68 : memref<64xi32, #tpu.memory_space<vmem>>) semaphore(%arg13 : memref<!tpu.dma_semaphore, #tpu.memory_space<semaphore_mem>>)
    %dma_start3A_72 = arith.constant 7 : i32
    %dma_start3A_73 = arith.constant 0 : i32
    %dma_start3A_74 = arith.constant 0 : i32
    %dma_start3A_75 = tpu.memref_slice %arg6[%dma_start3A_72, %dma_start3A_73, %dma_start3A_74] : memref<10x64x128xf32, #tpu.memory_space<vmem>> -> memref<1x64x128xf32, #tpu.memory_space<vmem>>
    %dma_start3A_76 = tpu.memref_squeeze %dma_start3A_75 : memref<1x64x128xf32, #tpu.memory_space<vmem>> -> memref<64x128xf32, #tpu.memory_space<vmem>>
    %dma_start3A_77 = arith.constant 448 : i32
    %dma_start3A_78 = tpu.memref_slice %arg5[%dma_start3A_77] : memref<6400xi32, #tpu.memory_space<vmem>> -> memref<64xi32, #tpu.memory_space<vmem>>
    %dma_start3A_79 = arith.constant 0 : i32
    %dma_start3A_80 = arith.constant 0 : i32
    %dma_start3A_81 = tpu.memref_slice %arg3[%dma_start3A_79, %dma_start3A_80] : memref<100000x128xf32, #tpu.memory_space<hbm>> -> memref<100000x128xf32, #tpu.memory_space<hbm>>
    tpu.enqueue_indirect_dma source(%dma_start3A_81 : memref<100000x128xf32, #tpu.memory_space<hbm>>) target(%dma_start3A_76 : memref<64x128xf32, #tpu.memory_space<vmem>>) offsets(%dma_start3A_78 : memref<64xi32, #tpu.memory_space<vmem>>) semaphore(%arg14 : memref<!tpu.dma_semaphore, #tpu.memory_space<semaphore_mem>>)
    %dma_start3A_82 = arith.constant 8 : i32
    %dma_start3A_83 = arith.constant 0 : i32
    %dma_start3A_84 = arith.constant 0 : i32
    %dma_start3A_85 = tpu.memref_slice %arg6[%dma_start3A_82, %dma_start3A_83, %dma_start3A_84] : memref<10x64x128xf32, #tpu.memory_space<vmem>> -> memref<1x64x128xf32, #tpu.memory_space<vmem>>
    %dma_start3A_86 = tpu.memref_squeeze %dma_start3A_85 : memref<1x64x128xf32, #tpu.memory_space<vmem>> -> memref<64x128xf32, #tpu.memory_space<vmem>>
    %dma_start3A_87 = arith.constant 512 : i32
    %dma_start3A_88 = tpu.memref_slice %arg5[%dma_start3A_87] : memref<6400xi32, #tpu.memory_space<vmem>> -> memref<64xi32, #tpu.memory_space<vmem>>
    %dma_start3A_89 = arith.constant 0 : i32
    %dma_start3A_90 = arith.constant 0 : i32
    %dma_start3A_91 = tpu.memref_slice %arg3[%dma_start3A_89, %dma_start3A_90] : memref<100000x128xf32, #tpu.memory_space<hbm>> -> memref<100000x128xf32, #tpu.memory_space<hbm>>
    tpu.enqueue_indirect_dma source(%dma_start3A_91 : memref<100000x128xf32, #tpu.memory_space<hbm>>) target(%dma_start3A_86 : memref<64x128xf32, #tpu.memory_space<vmem>>) offsets(%dma_start3A_88 : memref<64xi32, #tpu.memory_space<vmem>>) semaphore(%arg15 : memref<!tpu.dma_semaphore, #tpu.memory_space<semaphore_mem>>)
    %dma_start3A_92 = arith.constant 9 : i32
    %dma_start3A_93 = arith.constant 0 : i32
    %dma_start3A_94 = arith.constant 0 : i32
    %dma_start3A_95 = tpu.memref_slice %arg6[%dma_start3A_92, %dma_start3A_93, %dma_start3A_94] : memref<10x64x128xf32, #tpu.memory_space<vmem>> -> memref<1x64x128xf32, #tpu.memory_space<vmem>>
    %dma_start3A_96 = tpu.memref_squeeze %dma_start3A_95 : memref<1x64x128xf32, #tpu.memory_space<vmem>> -> memref<64x128xf32, #tpu.memory_space<vmem>>
    %dma_start3A_97 = arith.constant 576 : i32
    %dma_start3A_98 = tpu.memref_slice %arg5[%dma_start3A_97] : memref<6400xi32, #tpu.memory_space<vmem>> -> memref<64xi32, #tpu.memory_space<vmem>>
    %dma_start3A_99 = arith.constant 0 : i32
    %dma_start3A_100 = arith.constant 0 : i32
    %dma_start3A_101 = tpu.memref_slice %arg3[%dma_start3A_99, %dma_start3A_100] : memref<100000x128xf32, #tpu.memory_space<hbm>> -> memref<100000x128xf32, #tpu.memory_space<hbm>>
    tpu.enqueue_indirect_dma source(%dma_start3A_101 : memref<100000x128xf32, #tpu.memory_space<hbm>>) target(%dma_start3A_96 : memref<64x128xf32, #tpu.memory_space<vmem>>) offsets(%dma_start3A_98 : memref<64xi32, #tpu.memory_space<vmem>>) semaphore(%arg16 : memref<!tpu.dma_semaphore, #tpu.memory_space<semaphore_mem>>)
    %scan3A = arith.constant 0 : i32
    %scan3A_102 = arith.constant 0 : i32
    %scan3A_103 = arith.constant 10 : i32
    %scan3A_104 = arith.addi %scan3A_102, %scan3A_103 : i32
    %scan3A_105 = arith.constant 1 : i32
    scf.for %scan3A_236 = %scan3A_102 to %scan3A_104 step %scan3A_105  : i32 {
      %dma_wait3A_237 = arith.constant 0 : i32
      %dma_wait3A_238 = arith.constant 0 : i32
      %dma_wait3A_239 = arith.constant 0 : i32
      %dma_wait3A_240 = tpu.memref_slice %arg6[%dma_wait3A_237, %dma_wait3A_238, %dma_wait3A_239] : memref<10x64x128xf32, #tpu.memory_space<vmem>> -> memref<1x64x128xf32, #tpu.memory_space<vmem>>
      %dma_wait3A_241 = tpu.memref_squeeze %dma_wait3A_240 : memref<1x64x128xf32, #tpu.memory_space<vmem>> -> memref<64x128xf32, #tpu.memory_space<vmem>>
      %dma_wait3A_242 = arith.constant 0 : i32
      %dma_wait3A_243 = tpu.memref_slice %arg5[%dma_wait3A_242] : memref<6400xi32, #tpu.memory_space<vmem>> -> memref<64xi32, #tpu.memory_space<vmem>>
      %dma_wait3A_244 = arith.constant 0 : i32
      %dma_wait3A_245 = arith.constant 0 : i32
      %dma_wait3A_246 = tpu.memref_slice %arg3[%dma_wait3A_244, %dma_wait3A_245] : memref<100000x128xf32, #tpu.memory_space<hbm>> -> memref<100000x128xf32, #tpu.memory_space<hbm>>
      tpu.wait_indirect_dma semaphore(%arg7 : memref<!tpu.dma_semaphore, #tpu.memory_space<semaphore_mem>>) src(%dma_wait3A_246 : memref<100000x128xf32, #tpu.memory_space<hbm>>) dst(%dma_wait3A_241 : memref<64x128xf32, #tpu.memory_space<vmem>>)
      %mul3A_247 = arith.constant 10 : i32
      %mul3A_248 = arith.muli %scan3A_236, %mul3A_247 : i32
      %add3A_249 = arith.constant 0 : i32
      %add3A_250 = arith.addi %mul3A_248, %add3A_249 : i32
      %mul3A_251 = arith.constant 64 : i32
      %mul3A_252 = arith.muli %add3A_250, %mul3A_251 : i32
      %add3A_253 = arith.addi %mul3A_2, %mul3A_252 : i32
      %dma_start3A_254 = arith.constant 0 : i32
      %dma_start3A_255 = arith.constant 0 : i32
      %dma_start3A_256 = arith.constant 0 : i32
      %dma_start3A_257 = tpu.memref_slice %arg6[%dma_start3A_254, %dma_start3A_255, %dma_start3A_256] : memref<10x64x128xf32, #tpu.memory_space<vmem>> -> memref<1x64x128xf32, #tpu.memory_space<vmem>>
      %dma_start3A_258 = tpu.memref_squeeze %dma_start3A_257 : memref<1x64x128xf32, #tpu.memory_space<vmem>> -> memref<64x128xf32, #tpu.memory_space<vmem>>
      %dma_start3A_259 = arith.constant 0 : i32
      %dma_start3A_260 = tpu.memref_slice %arg4[%add3A_253, %dma_start3A_259] : memref<204800x128xf32, #tpu.memory_space<hbm>> -> memref<64x128xf32, #tpu.memory_space<hbm>>
      %dma_start3A_261 = arith.constant 0 : i32
      %dma_start3A_262 = tpu.memref_slice %arg4[%add3A_253, %dma_start3A_261] : memref<204800x128xf32, #tpu.memory_space<hbm>> -> memref<64x128xf32, #tpu.memory_space<hbm>>
      %dma_start3A_263 = arith.constant 0 : i32
      %dma_start3A_264 = arith.constant 0 : i32
      %dma_start3A_265 = tpu.memref_slice %arg6[%dma_start3A_254, %dma_start3A_263, %dma_start3A_264] : memref<10x64x128xf32, #tpu.memory_space<vmem>> -> memref<1x64x128xf32, #tpu.memory_space<vmem>>
      %dma_start3A_266 = tpu.memref_squeeze %dma_start3A_265 : memref<1x64x128xf32, #tpu.memory_space<vmem>> -> memref<64x128xf32, #tpu.memory_space<vmem>>
      tpu.enqueue_dma source(%dma_start3A_266 : memref<64x128xf32, #tpu.memory_space<vmem>>) target(%dma_start3A_262 : memref<64x128xf32, #tpu.memory_space<hbm>>) target_semaphore(%arg17 : memref<!tpu.dma_semaphore, #tpu.memory_space<semaphore_mem>>)
      %dma_wait3A_267 = arith.constant 1 : i32
      %dma_wait3A_268 = arith.constant 0 : i32
      %dma_wait3A_269 = arith.constant 0 : i32
      %dma_wait3A_270 = tpu.memref_slice %arg6[%dma_wait3A_267, %dma_wait3A_268, %dma_wait3A_269] : memref<10x64x128xf32, #tpu.memory_space<vmem>> -> memref<1x64x128xf32, #tpu.memory_space<vmem>>
      %dma_wait3A_271 = tpu.memref_squeeze %dma_wait3A_270 : memref<1x64x128xf32, #tpu.memory_space<vmem>> -> memref<64x128xf32, #tpu.memory_space<vmem>>
      %dma_wait3A_272 = arith.constant 0 : i32
      %dma_wait3A_273 = tpu.memref_slice %arg5[%dma_wait3A_272] : memref<6400xi32, #tpu.memory_space<vmem>> -> memref<64xi32, #tpu.memory_space<vmem>>
      %dma_wait3A_274 = arith.constant 0 : i32
      %dma_wait3A_275 = arith.constant 0 : i32
      %dma_wait3A_276 = tpu.memref_slice %arg3[%dma_wait3A_274, %dma_wait3A_275] : memref<100000x128xf32, #tpu.memory_space<hbm>> -> memref<100000x128xf32, #tpu.memory_space<hbm>>
      tpu.wait_indirect_dma semaphore(%arg8 : memref<!tpu.dma_semaphore, #tpu.memory_space<semaphore_mem>>) src(%dma_wait3A_276 : memref<100000x128xf32, #tpu.memory_space<hbm>>) dst(%dma_wait3A_271 : memref<64x128xf32, #tpu.memory_space<vmem>>)
      %mul3A_277 = arith.constant 10 : i32
      %mul3A_278 = arith.muli %scan3A_236, %mul3A_277 : i32
      %add3A_279 = arith.constant 1 : i32
      %add3A_280 = arith.addi %mul3A_278, %add3A_279 : i32
      %mul3A_281 = arith.constant 64 : i32
      %mul3A_282 = arith.muli %add3A_280, %mul3A_281 : i32
      %add3A_283 = arith.addi %mul3A_2, %mul3A_282 : i32
      %dma_start3A_284 = arith.constant 1 : i32
      %dma_start3A_285 = arith.constant 0 : i32
      %dma_start3A_286 = arith.constant 0 : i32
      %dma_start3A_287 = tpu.memref_slice %arg6[%dma_start3A_284, %dma_start3A_285, %dma_start3A_286] : memref<10x64x128xf32, #tpu.memory_space<vmem>> -> memref<1x64x128xf32, #tpu.memory_space<vmem>>
      %dma_start3A_288 = tpu.memref_squeeze %dma_start3A_287 : memref<1x64x128xf32, #tpu.memory_space<vmem>> -> memref<64x128xf32, #tpu.memory_space<vmem>>
      %dma_start3A_289 = arith.constant 0 : i32
      %dma_start3A_290 = tpu.memref_slice %arg4[%add3A_283, %dma_start3A_289] : memref<204800x128xf32, #tpu.memory_space<hbm>> -> memref<64x128xf32, #tpu.memory_space<hbm>>
      %dma_start3A_291 = arith.constant 0 : i32
      %dma_start3A_292 = tpu.memref_slice %arg4[%add3A_283, %dma_start3A_291] : memref<204800x128xf32, #tpu.memory_space<hbm>> -> memref<64x128xf32, #tpu.memory_space<hbm>>
      %dma_start3A_293 = arith.constant 0 : i32
      %dma_start3A_294 = arith.constant 0 : i32
      %dma_start3A_295 = tpu.memref_slice %arg6[%dma_start3A_284, %dma_start3A_293, %dma_start3A_294] : memref<10x64x128xf32, #tpu.memory_space<vmem>> -> memref<1x64x128xf32, #tpu.memory_space<vmem>>
      %dma_start3A_296 = tpu.memref_squeeze %dma_start3A_295 : memref<1x64x128xf32, #tpu.memory_space<vmem>> -> memref<64x128xf32, #tpu.memory_space<vmem>>
      tpu.enqueue_dma source(%dma_start3A_296 : memref<64x128xf32, #tpu.memory_space<vmem>>) target(%dma_start3A_292 : memref<64x128xf32, #tpu.memory_space<hbm>>) target_semaphore(%arg18 : memref<!tpu.dma_semaphore, #tpu.memory_space<semaphore_mem>>)
      %dma_wait3A_297 = arith.constant 2 : i32
      %dma_wait3A_298 = arith.constant 0 : i32
      %dma_wait3A_299 = arith.constant 0 : i32
      %dma_wait3A_300 = tpu.memref_slice %arg6[%dma_wait3A_297, %dma_wait3A_298, %dma_wait3A_299] : memref<10x64x128xf32, #tpu.memory_space<vmem>> -> memref<1x64x128xf32, #tpu.memory_space<vmem>>
      %dma_wait3A_301 = tpu.memref_squeeze %dma_wait3A_300 : memref<1x64x128xf32, #tpu.memory_space<vmem>> -> memref<64x128xf32, #tpu.memory_space<vmem>>
      %dma_wait3A_302 = arith.constant 0 : i32
      %dma_wait3A_303 = tpu.memref_slice %arg5[%dma_wait3A_302] : memref<6400xi32, #tpu.memory_space<vmem>> -> memref<64xi32, #tpu.memory_space<vmem>>
      %dma_wait3A_304 = arith.constant 0 : i32
      %dma_wait3A_305 = arith.constant 0 : i32
      %dma_wait3A_306 = tpu.memref_slice %arg3[%dma_wait3A_304, %dma_wait3A_305] : memref<100000x128xf32, #tpu.memory_space<hbm>> -> memref<100000x128xf32, #tpu.memory_space<hbm>>
      tpu.wait_indirect_dma semaphore(%arg9 : memref<!tpu.dma_semaphore, #tpu.memory_space<semaphore_mem>>) src(%dma_wait3A_306 : memref<100000x128xf32, #tpu.memory_space<hbm>>) dst(%dma_wait3A_301 : memref<64x128xf32, #tpu.memory_space<vmem>>)
      %mul3A_307 = arith.constant 10 : i32
      %mul3A_308 = arith.muli %scan3A_236, %mul3A_307 : i32
      %add3A_309 = arith.constant 2 : i32
      %add3A_310 = arith.addi %mul3A_308, %add3A_309 : i32
      %mul3A_311 = arith.constant 64 : i32
      %mul3A_312 = arith.muli %add3A_310, %mul3A_311 : i32
      %add3A_313 = arith.addi %mul3A_2, %mul3A_312 : i32
      %dma_start3A_314 = arith.constant 2 : i32
      %dma_start3A_315 = arith.constant 0 : i32
      %dma_start3A_316 = arith.constant 0 : i32
      %dma_start3A_317 = tpu.memref_slice %arg6[%dma_start3A_314, %dma_start3A_315, %dma_start3A_316] : memref<10x64x128xf32, #tpu.memory_space<vmem>> -> memref<1x64x128xf32, #tpu.memory_space<vmem>>
      %dma_start3A_318 = tpu.memref_squeeze %dma_start3A_317 : memref<1x64x128xf32, #tpu.memory_space<vmem>> -> memref<64x128xf32, #tpu.memory_space<vmem>>
      %dma_start3A_319 = arith.constant 0 : i32
      %dma_start3A_320 = tpu.memref_slice %arg4[%add3A_313, %dma_start3A_319] : memref<204800x128xf32, #tpu.memory_space<hbm>> -> memref<64x128xf32, #tpu.memory_space<hbm>>
      %dma_start3A_321 = arith.constant 0 : i32
      %dma_start3A_322 = tpu.memref_slice %arg4[%add3A_313, %dma_start3A_321] : memref<204800x128xf32, #tpu.memory_space<hbm>> -> memref<64x128xf32, #tpu.memory_space<hbm>>
      %dma_start3A_323 = arith.constant 0 : i32
      %dma_start3A_324 = arith.constant 0 : i32
      %dma_start3A_325 = tpu.memref_slice %arg6[%dma_start3A_314, %dma_start3A_323, %dma_start3A_324] : memref<10x64x128xf32, #tpu.memory_space<vmem>> -> memref<1x64x128xf32, #tpu.memory_space<vmem>>
      %dma_start3A_326 = tpu.memref_squeeze %dma_start3A_325 : memref<1x64x128xf32, #tpu.memory_space<vmem>> -> memref<64x128xf32, #tpu.memory_space<vmem>>
      tpu.enqueue_dma source(%dma_start3A_326 : memref<64x128xf32, #tpu.memory_space<vmem>>) target(%dma_start3A_322 : memref<64x128xf32, #tpu.memory_space<hbm>>) target_semaphore(%arg19 : memref<!tpu.dma_semaphore, #tpu.memory_space<semaphore_mem>>)
      %dma_wait3A_327 = arith.constant 3 : i32
      %dma_wait3A_328 = arith.constant 0 : i32
      %dma_wait3A_329 = arith.constant 0 : i32
      %dma_wait3A_330 = tpu.memref_slice %arg6[%dma_wait3A_327, %dma_wait3A_328, %dma_wait3A_329] : memref<10x64x128xf32, #tpu.memory_space<vmem>> -> memref<1x64x128xf32, #tpu.memory_space<vmem>>
      %dma_wait3A_331 = tpu.memref_squeeze %dma_wait3A_330 : memref<1x64x128xf32, #tpu.memory_space<vmem>> -> memref<64x128xf32, #tpu.memory_space<vmem>>
      %dma_wait3A_332 = arith.constant 0 : i32
      %dma_wait3A_333 = tpu.memref_slice %arg5[%dma_wait3A_332] : memref<6400xi32, #tpu.memory_space<vmem>> -> memref<64xi32, #tpu.memory_space<vmem>>
      %dma_wait3A_334 = arith.constant 0 : i32
      %dma_wait3A_335 = arith.constant 0 : i32
      %dma_wait3A_336 = tpu.memref_slice %arg3[%dma_wait3A_334, %dma_wait3A_335] : memref<100000x128xf32, #tpu.memory_space<hbm>> -> memref<100000x128xf32, #tpu.memory_space<hbm>>
      tpu.wait_indirect_dma semaphore(%arg10 : memref<!tpu.dma_semaphore, #tpu.memory_space<semaphore_mem>>) src(%dma_wait3A_336 : memref<100000x128xf32, #tpu.memory_space<hbm>>) dst(%dma_wait3A_331 : memref<64x128xf32, #tpu.memory_space<vmem>>)
      %mul3A_337 = arith.constant 10 : i32
      %mul3A_338 = arith.muli %scan3A_236, %mul3A_337 : i32
      %add3A_339 = arith.constant 3 : i32
      %add3A_340 = arith.addi %mul3A_338, %add3A_339 : i32
      %mul3A_341 = arith.constant 64 : i32
      %mul3A_342 = arith.muli %add3A_340, %mul3A_341 : i32
      %add3A_343 = arith.addi %mul3A_2, %mul3A_342 : i32
      %dma_start3A_344 = arith.constant 3 : i32
      %dma_start3A_345 = arith.constant 0 : i32
      %dma_start3A_346 = arith.constant 0 : i32
      %dma_start3A_347 = tpu.memref_slice %arg6[%dma_start3A_344, %dma_start3A_345, %dma_start3A_346] : memref<10x64x128xf32, #tpu.memory_space<vmem>> -> memref<1x64x128xf32, #tpu.memory_space<vmem>>
      %dma_start3A_348 = tpu.memref_squeeze %dma_start3A_347 : memref<1x64x128xf32, #tpu.memory_space<vmem>> -> memref<64x128xf32, #tpu.memory_space<vmem>>
      %dma_start3A_349 = arith.constant 0 : i32
      %dma_start3A_350 = tpu.memref_slice %arg4[%add3A_343, %dma_start3A_349] : memref<204800x128xf32, #tpu.memory_space<hbm>> -> memref<64x128xf32, #tpu.memory_space<hbm>>
      %dma_start3A_351 = arith.constant 0 : i32
      %dma_start3A_352 = tpu.memref_slice %arg4[%add3A_343, %dma_start3A_351] : memref<204800x128xf32, #tpu.memory_space<hbm>> -> memref<64x128xf32, #tpu.memory_space<hbm>>
      %dma_start3A_353 = arith.constant 0 : i32
      %dma_start3A_354 = arith.constant 0 : i32
      %dma_start3A_355 = tpu.memref_slice %arg6[%dma_start3A_344, %dma_start3A_353, %dma_start3A_354] : memref<10x64x128xf32, #tpu.memory_space<vmem>> -> memref<1x64x128xf32, #tpu.memory_space<vmem>>
      %dma_start3A_356 = tpu.memref_squeeze %dma_start3A_355 : memref<1x64x128xf32, #tpu.memory_space<vmem>> -> memref<64x128xf32, #tpu.memory_space<vmem>>
      tpu.enqueue_dma source(%dma_start3A_356 : memref<64x128xf32, #tpu.memory_space<vmem>>) target(%dma_start3A_352 : memref<64x128xf32, #tpu.memory_space<hbm>>) target_semaphore(%arg20 : memref<!tpu.dma_semaphore, #tpu.memory_space<semaphore_mem>>)
      %dma_wait3A_357 = arith.constant 4 : i32
      %dma_wait3A_358 = arith.constant 0 : i32
      %dma_wait3A_359 = arith.constant 0 : i32
      %dma_wait3A_360 = tpu.memref_slice %arg6[%dma_wait3A_357, %dma_wait3A_358, %dma_wait3A_359] : memref<10x64x128xf32, #tpu.memory_space<vmem>> -> memref<1x64x128xf32, #tpu.memory_space<vmem>>
      %dma_wait3A_361 = tpu.memref_squeeze %dma_wait3A_360 : memref<1x64x128xf32, #tpu.memory_space<vmem>> -> memref<64x128xf32, #tpu.memory_space<vmem>>
      %dma_wait3A_362 = arith.constant 0 : i32
      %dma_wait3A_363 = tpu.memref_slice %arg5[%dma_wait3A_362] : memref<6400xi32, #tpu.memory_space<vmem>> -> memref<64xi32, #tpu.memory_space<vmem>>
      %dma_wait3A_364 = arith.constant 0 : i32
      %dma_wait3A_365 = arith.constant 0 : i32
      %dma_wait3A_366 = tpu.memref_slice %arg3[%dma_wait3A_364, %dma_wait3A_365] : memref<100000x128xf32, #tpu.memory_space<hbm>> -> memref<100000x128xf32, #tpu.memory_space<hbm>>
      tpu.wait_indirect_dma semaphore(%arg11 : memref<!tpu.dma_semaphore, #tpu.memory_space<semaphore_mem>>) src(%dma_wait3A_366 : memref<100000x128xf32, #tpu.memory_space<hbm>>) dst(%dma_wait3A_361 : memref<64x128xf32, #tpu.memory_space<vmem>>)
      %mul3A_367 = arith.constant 10 : i32
      %mul3A_368 = arith.muli %scan3A_236, %mul3A_367 : i32
      %add3A_369 = arith.constant 4 : i32
      %add3A_370 = arith.addi %mul3A_368, %add3A_369 : i32
      %mul3A_371 = arith.constant 64 : i32
      %mul3A_372 = arith.muli %add3A_370, %mul3A_371 : i32
      %add3A_373 = arith.addi %mul3A_2, %mul3A_372 : i32
      %dma_start3A_374 = arith.constant 4 : i32
      %dma_start3A_375 = arith.constant 0 : i32
      %dma_start3A_376 = arith.constant 0 : i32
      %dma_start3A_377 = tpu.memref_slice %arg6[%dma_start3A_374, %dma_start3A_375, %dma_start3A_376] : memref<10x64x128xf32, #tpu.memory_space<vmem>> -> memref<1x64x128xf32, #tpu.memory_space<vmem>>
      %dma_start3A_378 = tpu.memref_squeeze %dma_start3A_377 : memref<1x64x128xf32, #tpu.memory_space<vmem>> -> memref<64x128xf32, #tpu.memory_space<vmem>>
      %dma_start3A_379 = arith.constant 0 : i32
      %dma_start3A_380 = tpu.memref_slice %arg4[%add3A_373, %dma_start3A_379] : memref<204800x128xf32, #tpu.memory_space<hbm>> -> memref<64x128xf32, #tpu.memory_space<hbm>>
      %dma_start3A_381 = arith.constant 0 : i32
      %dma_start3A_382 = tpu.memref_slice %arg4[%add3A_373, %dma_start3A_381] : memref<204800x128xf32, #tpu.memory_space<hbm>> -> memref<64x128xf32, #tpu.memory_space<hbm>>
      %dma_start3A_383 = arith.constant 0 : i32
      %dma_start3A_384 = arith.constant 0 : i32
      %dma_start3A_385 = tpu.memref_slice %arg6[%dma_start3A_374, %dma_start3A_383, %dma_start3A_384] : memref<10x64x128xf32, #tpu.memory_space<vmem>> -> memref<1x64x128xf32, #tpu.memory_space<vmem>>
      %dma_start3A_386 = tpu.memref_squeeze %dma_start3A_385 : memref<1x64x128xf32, #tpu.memory_space<vmem>> -> memref<64x128xf32, #tpu.memory_space<vmem>>
      tpu.enqueue_dma source(%dma_start3A_386 : memref<64x128xf32, #tpu.memory_space<vmem>>) target(%dma_start3A_382 : memref<64x128xf32, #tpu.memory_space<hbm>>) target_semaphore(%arg21 : memref<!tpu.dma_semaphore, #tpu.memory_space<semaphore_mem>>)
      %dma_wait3A_387 = arith.constant 5 : i32
      %dma_wait3A_388 = arith.constant 0 : i32
      %dma_wait3A_389 = arith.constant 0 : i32
      %dma_wait3A_390 = tpu.memref_slice %arg6[%dma_wait3A_387, %dma_wait3A_388, %dma_wait3A_389] : memref<10x64x128xf32, #tpu.memory_space<vmem>> -> memref<1x64x128xf32, #tpu.memory_space<vmem>>
      %dma_wait3A_391 = tpu.memref_squeeze %dma_wait3A_390 : memref<1x64x128xf32, #tpu.memory_space<vmem>> -> memref<64x128xf32, #tpu.memory_space<vmem>>
      %dma_wait3A_392 = arith.constant 0 : i32
      %dma_wait3A_393 = tpu.memref_slice %arg5[%dma_wait3A_392] : memref<6400xi32, #tpu.memory_space<vmem>> -> memref<64xi32, #tpu.memory_space<vmem>>
      %dma_wait3A_394 = arith.constant 0 : i32
      %dma_wait3A_395 = arith.constant 0 : i32
      %dma_wait3A_396 = tpu.memref_slice %arg3[%dma_wait3A_394, %dma_wait3A_395] : memref<100000x128xf32, #tpu.memory_space<hbm>> -> memref<100000x128xf32, #tpu.memory_space<hbm>>
      tpu.wait_indirect_dma semaphore(%arg12 : memref<!tpu.dma_semaphore, #tpu.memory_space<semaphore_mem>>) src(%dma_wait3A_396 : memref<100000x128xf32, #tpu.memory_space<hbm>>) dst(%dma_wait3A_391 : memref<64x128xf32, #tpu.memory_space<vmem>>)
      %mul3A_397 = arith.constant 10 : i32
      %mul3A_398 = arith.muli %scan3A_236, %mul3A_397 : i32
      %add3A_399 = arith.constant 5 : i32
      %add3A_400 = arith.addi %mul3A_398, %add3A_399 : i32
      %mul3A_401 = arith.constant 64 : i32
      %mul3A_402 = arith.muli %add3A_400, %mul3A_401 : i32
      %add3A_403 = arith.addi %mul3A_2, %mul3A_402 : i32
      %dma_start3A_404 = arith.constant 5 : i32
      %dma_start3A_405 = arith.constant 0 : i32
      %dma_start3A_406 = arith.constant 0 : i32
      %dma_start3A_407 = tpu.memref_slice %arg6[%dma_start3A_404, %dma_start3A_405, %dma_start3A_406] : memref<10x64x128xf32, #tpu.memory_space<vmem>> -> memref<1x64x128xf32, #tpu.memory_space<vmem>>
      %dma_start3A_408 = tpu.memref_squeeze %dma_start3A_407 : memref<1x64x128xf32, #tpu.memory_space<vmem>> -> memref<64x128xf32, #tpu.memory_space<vmem>>
      %dma_start3A_409 = arith.constant 0 : i32
      %dma_start3A_410 = tpu.memref_slice %arg4[%add3A_403, %dma_start3A_409] : memref<204800x128xf32, #tpu.memory_space<hbm>> -> memref<64x128xf32, #tpu.memory_space<hbm>>
      %dma_start3A_411 = arith.constant 0 : i32
      %dma_start3A_412 = tpu.memref_slice %arg4[%add3A_403, %dma_start3A_411] : memref<204800x128xf32, #tpu.memory_space<hbm>> -> memref<64x128xf32, #tpu.memory_space<hbm>>
      %dma_start3A_413 = arith.constant 0 : i32
      %dma_start3A_414 = arith.constant 0 : i32
      %dma_start3A_415 = tpu.memref_slice %arg6[%dma_start3A_404, %dma_start3A_413, %dma_start3A_414] : memref<10x64x128xf32, #tpu.memory_space<vmem>> -> memref<1x64x128xf32, #tpu.memory_space<vmem>>
      %dma_start3A_416 = tpu.memref_squeeze %dma_start3A_415 : memref<1x64x128xf32, #tpu.memory_space<vmem>> -> memref<64x128xf32, #tpu.memory_space<vmem>>
      tpu.enqueue_dma source(%dma_start3A_416 : memref<64x128xf32, #tpu.memory_space<vmem>>) target(%dma_start3A_412 : memref<64x128xf32, #tpu.memory_space<hbm>>) target_semaphore(%arg22 : memref<!tpu.dma_semaphore, #tpu.memory_space<semaphore_mem>>)
      %dma_wait3A_417 = arith.constant 6 : i32
      %dma_wait3A_418 = arith.constant 0 : i32
      %dma_wait3A_419 = arith.constant 0 : i32
      %dma_wait3A_420 = tpu.memref_slice %arg6[%dma_wait3A_417, %dma_wait3A_418, %dma_wait3A_419] : memref<10x64x128xf32, #tpu.memory_space<vmem>> -> memref<1x64x128xf32, #tpu.memory_space<vmem>>
      %dma_wait3A_421 = tpu.memref_squeeze %dma_wait3A_420 : memref<1x64x128xf32, #tpu.memory_space<vmem>> -> memref<64x128xf32, #tpu.memory_space<vmem>>
      %dma_wait3A_422 = arith.constant 0 : i32
      %dma_wait3A_423 = tpu.memref_slice %arg5[%dma_wait3A_422] : memref<6400xi32, #tpu.memory_space<vmem>> -> memref<64xi32, #tpu.memory_space<vmem>>
      %dma_wait3A_424 = arith.constant 0 : i32
      %dma_wait3A_425 = arith.constant 0 : i32
      %dma_wait3A_426 = tpu.memref_slice %arg3[%dma_wait3A_424, %dma_wait3A_425] : memref<100000x128xf32, #tpu.memory_space<hbm>> -> memref<100000x128xf32, #tpu.memory_space<hbm>>
      tpu.wait_indirect_dma semaphore(%arg13 : memref<!tpu.dma_semaphore, #tpu.memory_space<semaphore_mem>>) src(%dma_wait3A_426 : memref<100000x128xf32, #tpu.memory_space<hbm>>) dst(%dma_wait3A_421 : memref<64x128xf32, #tpu.memory_space<vmem>>)
      %mul3A_427 = arith.constant 10 : i32
      %mul3A_428 = arith.muli %scan3A_236, %mul3A_427 : i32
      %add3A_429 = arith.constant 6 : i32
      %add3A_430 = arith.addi %mul3A_428, %add3A_429 : i32
      %mul3A_431 = arith.constant 64 : i32
      %mul3A_432 = arith.muli %add3A_430, %mul3A_431 : i32
      %add3A_433 = arith.addi %mul3A_2, %mul3A_432 : i32
      %dma_start3A_434 = arith.constant 6 : i32
      %dma_start3A_435 = arith.constant 0 : i32
      %dma_start3A_436 = arith.constant 0 : i32
      %dma_start3A_437 = tpu.memref_slice %arg6[%dma_start3A_434, %dma_start3A_435, %dma_start3A_436] : memref<10x64x128xf32, #tpu.memory_space<vmem>> -> memref<1x64x128xf32, #tpu.memory_space<vmem>>
      %dma_start3A_438 = tpu.memref_squeeze %dma_start3A_437 : memref<1x64x128xf32, #tpu.memory_space<vmem>> -> memref<64x128xf32, #tpu.memory_space<vmem>>
      %dma_start3A_439 = arith.constant 0 : i32
      %dma_start3A_440 = tpu.memref_slice %arg4[%add3A_433, %dma_start3A_439] : memref<204800x128xf32, #tpu.memory_space<hbm>> -> memref<64x128xf32, #tpu.memory_space<hbm>>
      %dma_start3A_441 = arith.constant 0 : i32
      %dma_start3A_442 = tpu.memref_slice %arg4[%add3A_433, %dma_start3A_441] : memref<204800x128xf32, #tpu.memory_space<hbm>> -> memref<64x128xf32, #tpu.memory_space<hbm>>
      %dma_start3A_443 = arith.constant 0 : i32
      %dma_start3A_444 = arith.constant 0 : i32
      %dma_start3A_445 = tpu.memref_slice %arg6[%dma_start3A_434, %dma_start3A_443, %dma_start3A_444] : memref<10x64x128xf32, #tpu.memory_space<vmem>> -> memref<1x64x128xf32, #tpu.memory_space<vmem>>
      %dma_start3A_446 = tpu.memref_squeeze %dma_start3A_445 : memref<1x64x128xf32, #tpu.memory_space<vmem>> -> memref<64x128xf32, #tpu.memory_space<vmem>>
      tpu.enqueue_dma source(%dma_start3A_446 : memref<64x128xf32, #tpu.memory_space<vmem>>) target(%dma_start3A_442 : memref<64x128xf32, #tpu.memory_space<hbm>>) target_semaphore(%arg23 : memref<!tpu.dma_semaphore, #tpu.memory_space<semaphore_mem>>)
      %dma_wait3A_447 = arith.constant 7 : i32
      %dma_wait3A_448 = arith.constant 0 : i32
      %dma_wait3A_449 = arith.constant 0 : i32
      %dma_wait3A_450 = tpu.memref_slice %arg6[%dma_wait3A_447, %dma_wait3A_448, %dma_wait3A_449] : memref<10x64x128xf32, #tpu.memory_space<vmem>> -> memref<1x64x128xf32, #tpu.memory_space<vmem>>
      %dma_wait3A_451 = tpu.memref_squeeze %dma_wait3A_450 : memref<1x64x128xf32, #tpu.memory_space<vmem>> -> memref<64x128xf32, #tpu.memory_space<vmem>>
      %dma_wait3A_452 = arith.constant 0 : i32
      %dma_wait3A_453 = tpu.memref_slice %arg5[%dma_wait3A_452] : memref<6400xi32, #tpu.memory_space<vmem>> -> memref<64xi32, #tpu.memory_space<vmem>>
      %dma_wait3A_454 = arith.constant 0 : i32
      %dma_wait3A_455 = arith.constant 0 : i32
      %dma_wait3A_456 = tpu.memref_slice %arg3[%dma_wait3A_454, %dma_wait3A_455] : memref<100000x128xf32, #tpu.memory_space<hbm>> -> memref<100000x128xf32, #tpu.memory_space<hbm>>
      tpu.wait_indirect_dma semaphore(%arg14 : memref<!tpu.dma_semaphore, #tpu.memory_space<semaphore_mem>>) src(%dma_wait3A_456 : memref<100000x128xf32, #tpu.memory_space<hbm>>) dst(%dma_wait3A_451 : memref<64x128xf32, #tpu.memory_space<vmem>>)
      %mul3A_457 = arith.constant 10 : i32
      %mul3A_458 = arith.muli %scan3A_236, %mul3A_457 : i32
      %add3A_459 = arith.constant 7 : i32
      %add3A_460 = arith.addi %mul3A_458, %add3A_459 : i32
      %mul3A_461 = arith.constant 64 : i32
      %mul3A_462 = arith.muli %add3A_460, %mul3A_461 : i32
      %add3A_463 = arith.addi %mul3A_2, %mul3A_462 : i32
      %dma_start3A_464 = arith.constant 7 : i32
      %dma_start3A_465 = arith.constant 0 : i32
      %dma_start3A_466 = arith.constant 0 : i32
      %dma_start3A_467 = tpu.memref_slice %arg6[%dma_start3A_464, %dma_start3A_465, %dma_start3A_466] : memref<10x64x128xf32, #tpu.memory_space<vmem>> -> memref<1x64x128xf32, #tpu.memory_space<vmem>>
      %dma_start3A_468 = tpu.memref_squeeze %dma_start3A_467 : memref<1x64x128xf32, #tpu.memory_space<vmem>> -> memref<64x128xf32, #tpu.memory_space<vmem>>
      %dma_start3A_469 = arith.constant 0 : i32
      %dma_start3A_470 = tpu.memref_slice %arg4[%add3A_463, %dma_start3A_469] : memref<204800x128xf32, #tpu.memory_space<hbm>> -> memref<64x128xf32, #tpu.memory_space<hbm>>
      %dma_start3A_471 = arith.constant 0 : i32
      %dma_start3A_472 = tpu.memref_slice %arg4[%add3A_463, %dma_start3A_471] : memref<204800x128xf32, #tpu.memory_space<hbm>> -> memref<64x128xf32, #tpu.memory_space<hbm>>
      %dma_start3A_473 = arith.constant 0 : i32
      %dma_start3A_474 = arith.constant 0 : i32
      %dma_start3A_475 = tpu.memref_slice %arg6[%dma_start3A_464, %dma_start3A_473, %dma_start3A_474] : memref<10x64x128xf32, #tpu.memory_space<vmem>> -> memref<1x64x128xf32, #tpu.memory_space<vmem>>
      %dma_start3A_476 = tpu.memref_squeeze %dma_start3A_475 : memref<1x64x128xf32, #tpu.memory_space<vmem>> -> memref<64x128xf32, #tpu.memory_space<vmem>>
      tpu.enqueue_dma source(%dma_start3A_476 : memref<64x128xf32, #tpu.memory_space<vmem>>) target(%dma_start3A_472 : memref<64x128xf32, #tpu.memory_space<hbm>>) target_semaphore(%arg24 : memref<!tpu.dma_semaphore, #tpu.memory_space<semaphore_mem>>)
      %dma_wait3A_477 = arith.constant 8 : i32
      %dma_wait3A_478 = arith.constant 0 : i32
      %dma_wait3A_479 = arith.constant 0 : i32
      %dma_wait3A_480 = tpu.memref_slice %arg6[%dma_wait3A_477, %dma_wait3A_478, %dma_wait3A_479] : memref<10x64x128xf32, #tpu.memory_space<vmem>> -> memref<1x64x128xf32, #tpu.memory_space<vmem>>
      %dma_wait3A_481 = tpu.memref_squeeze %dma_wait3A_480 : memref<1x64x128xf32, #tpu.memory_space<vmem>> -> memref<64x128xf32, #tpu.memory_space<vmem>>
      %dma_wait3A_482 = arith.constant 0 : i32
      %dma_wait3A_483 = tpu.memref_slice %arg5[%dma_wait3A_482] : memref<6400xi32, #tpu.memory_space<vmem>> -> memref<64xi32, #tpu.memory_space<vmem>>
      %dma_wait3A_484 = arith.constant 0 : i32
      %dma_wait3A_485 = arith.constant 0 : i32
      %dma_wait3A_486 = tpu.memref_slice %arg3[%dma_wait3A_484, %dma_wait3A_485] : memref<100000x128xf32, #tpu.memory_space<hbm>> -> memref<100000x128xf32, #tpu.memory_space<hbm>>
      tpu.wait_indirect_dma semaphore(%arg15 : memref<!tpu.dma_semaphore, #tpu.memory_space<semaphore_mem>>) src(%dma_wait3A_486 : memref<100000x128xf32, #tpu.memory_space<hbm>>) dst(%dma_wait3A_481 : memref<64x128xf32, #tpu.memory_space<vmem>>)
      %mul3A_487 = arith.constant 10 : i32
      %mul3A_488 = arith.muli %scan3A_236, %mul3A_487 : i32
      %add3A_489 = arith.constant 8 : i32
      %add3A_490 = arith.addi %mul3A_488, %add3A_489 : i32
      %mul3A_491 = arith.constant 64 : i32
      %mul3A_492 = arith.muli %add3A_490, %mul3A_491 : i32
      %add3A_493 = arith.addi %mul3A_2, %mul3A_492 : i32
      %dma_start3A_494 = arith.constant 8 : i32
      %dma_start3A_495 = arith.constant 0 : i32
      %dma_start3A_496 = arith.constant 0 : i32
      %dma_start3A_497 = tpu.memref_slice %arg6[%dma_start3A_494, %dma_start3A_495, %dma_start3A_496] : memref<10x64x128xf32, #tpu.memory_space<vmem>> -> memref<1x64x128xf32, #tpu.memory_space<vmem>>
      %dma_start3A_498 = tpu.memref_squeeze %dma_start3A_497 : memref<1x64x128xf32, #tpu.memory_space<vmem>> -> memref<64x128xf32, #tpu.memory_space<vmem>>
      %dma_start3A_499 = arith.constant 0 : i32
      %dma_start3A_500 = tpu.memref_slice %arg4[%add3A_493, %dma_start3A_499] : memref<204800x128xf32, #tpu.memory_space<hbm>> -> memref<64x128xf32, #tpu.memory_space<hbm>>
      %dma_start3A_501 = arith.constant 0 : i32
      %dma_start3A_502 = tpu.memref_slice %arg4[%add3A_493, %dma_start3A_501] : memref<204800x128xf32, #tpu.memory_space<hbm>> -> memref<64x128xf32, #tpu.memory_space<hbm>>
      %dma_start3A_503 = arith.constant 0 : i32
      %dma_start3A_504 = arith.constant 0 : i32
      %dma_start3A_505 = tpu.memref_slice %arg6[%dma_start3A_494, %dma_start3A_503, %dma_start3A_504] : memref<10x64x128xf32, #tpu.memory_space<vmem>> -> memref<1x64x128xf32, #tpu.memory_space<vmem>>
      %dma_start3A_506 = tpu.memref_squeeze %dma_start3A_505 : memref<1x64x128xf32, #tpu.memory_space<vmem>> -> memref<64x128xf32, #tpu.memory_space<vmem>>
      tpu.enqueue_dma source(%dma_start3A_506 : memref<64x128xf32, #tpu.memory_space<vmem>>) target(%dma_start3A_502 : memref<64x128xf32, #tpu.memory_space<hbm>>) target_semaphore(%arg25 : memref<!tpu.dma_semaphore, #tpu.memory_space<semaphore_mem>>)
      %dma_wait3A_507 = arith.constant 9 : i32
      %dma_wait3A_508 = arith.constant 0 : i32
      %dma_wait3A_509 = arith.constant 0 : i32
      %dma_wait3A_510 = tpu.memref_slice %arg6[%dma_wait3A_507, %dma_wait3A_508, %dma_wait3A_509] : memref<10x64x128xf32, #tpu.memory_space<vmem>> -> memref<1x64x128xf32, #tpu.memory_space<vmem>>
      %dma_wait3A_511 = tpu.memref_squeeze %dma_wait3A_510 : memref<1x64x128xf32, #tpu.memory_space<vmem>> -> memref<64x128xf32, #tpu.memory_space<vmem>>
      %dma_wait3A_512 = arith.constant 0 : i32
      %dma_wait3A_513 = tpu.memref_slice %arg5[%dma_wait3A_512] : memref<6400xi32, #tpu.memory_space<vmem>> -> memref<64xi32, #tpu.memory_space<vmem>>
      %dma_wait3A_514 = arith.constant 0 : i32
      %dma_wait3A_515 = arith.constant 0 : i32
      %dma_wait3A_516 = tpu.memref_slice %arg3[%dma_wait3A_514, %dma_wait3A_515] : memref<100000x128xf32, #tpu.memory_space<hbm>> -> memref<100000x128xf32, #tpu.memory_space<hbm>>
      tpu.wait_indirect_dma semaphore(%arg16 : memref<!tpu.dma_semaphore, #tpu.memory_space<semaphore_mem>>) src(%dma_wait3A_516 : memref<100000x128xf32, #tpu.memory_space<hbm>>) dst(%dma_wait3A_511 : memref<64x128xf32, #tpu.memory_space<vmem>>)
      %mul3A_517 = arith.constant 10 : i32
      %mul3A_518 = arith.muli %scan3A_236, %mul3A_517 : i32
      %add3A_519 = arith.constant 9 : i32
      %add3A_520 = arith.addi %mul3A_518, %add3A_519 : i32
      %mul3A_521 = arith.constant 64 : i32
      %mul3A_522 = arith.muli %add3A_520, %mul3A_521 : i32
      %add3A_523 = arith.addi %mul3A_2, %mul3A_522 : i32
      %dma_start3A_524 = arith.constant 9 : i32
      %dma_start3A_525 = arith.constant 0 : i32
      %dma_start3A_526 = arith.constant 0 : i32
      %dma_start3A_527 = tpu.memref_slice %arg6[%dma_start3A_524, %dma_start3A_525, %dma_start3A_526] : memref<10x64x128xf32, #tpu.memory_space<vmem>> -> memref<1x64x128xf32, #tpu.memory_space<vmem>>
      %dma_start3A_528 = tpu.memref_squeeze %dma_start3A_527 : memref<1x64x128xf32, #tpu.memory_space<vmem>> -> memref<64x128xf32, #tpu.memory_space<vmem>>
      %dma_start3A_529 = arith.constant 0 : i32
      %dma_start3A_530 = tpu.memref_slice %arg4[%add3A_523, %dma_start3A_529] : memref<204800x128xf32, #tpu.memory_space<hbm>> -> memref<64x128xf32, #tpu.memory_space<hbm>>
      %dma_start3A_531 = arith.constant 0 : i32
      %dma_start3A_532 = tpu.memref_slice %arg4[%add3A_523, %dma_start3A_531] : memref<204800x128xf32, #tpu.memory_space<hbm>> -> memref<64x128xf32, #tpu.memory_space<hbm>>
      %dma_start3A_533 = arith.constant 0 : i32
      %dma_start3A_534 = arith.constant 0 : i32
      %dma_start3A_535 = tpu.memref_slice %arg6[%dma_start3A_524, %dma_start3A_533, %dma_start3A_534] : memref<10x64x128xf32, #tpu.memory_space<vmem>> -> memref<1x64x128xf32, #tpu.memory_space<vmem>>
      %dma_start3A_536 = tpu.memref_squeeze %dma_start3A_535 : memref<1x64x128xf32, #tpu.memory_space<vmem>> -> memref<64x128xf32, #tpu.memory_space<vmem>>
      tpu.enqueue_dma source(%dma_start3A_536 : memref<64x128xf32, #tpu.memory_space<vmem>>) target(%dma_start3A_532 : memref<64x128xf32, #tpu.memory_space<hbm>>) target_semaphore(%arg26 : memref<!tpu.dma_semaphore, #tpu.memory_space<semaphore_mem>>)
      %lt3A = arith.constant 9 : i32
      %lt3A_537 = arith.cmpi slt, %scan3A_236, %lt3A : i32
      %convert_element_type3A = arith.extui %lt3A_537 : i1 to i32
      %cond3A = arith.constant 0 : i32
      %cond3A_538 = arith.cmpi ne, %convert_element_type3A, %cond3A : i32
      scf.if %cond3A_538 {
        %dma_wait3A_539 = arith.constant 0 : i32
        %dma_wait3A_540 = arith.constant 0 : i32
        %dma_wait3A_541 = arith.constant 0 : i32
        %dma_wait3A_542 = tpu.memref_slice %arg6[%dma_wait3A_539, %dma_wait3A_540, %dma_wait3A_541] : memref<10x64x128xf32, #tpu.memory_space<vmem>> -> memref<1x64x128xf32, #tpu.memory_space<vmem>>
        %dma_wait3A_543 = tpu.memref_squeeze %dma_wait3A_542 : memref<1x64x128xf32, #tpu.memory_space<vmem>> -> memref<64x128xf32, #tpu.memory_space<vmem>>
        %dma_wait3A_544 = arith.constant 0 : i32
        %dma_wait3A_545 = tpu.memref_slice %arg4[%mul3A_2, %dma_wait3A_544] : memref<204800x128xf32, #tpu.memory_space<hbm>> -> memref<64x128xf32, #tpu.memory_space<hbm>>
        %dma_wait3A_546 = arith.constant 0 : i32
        %dma_wait3A_547 = tpu.memref_slice %arg4[%mul3A_2, %dma_wait3A_546] : memref<204800x128xf32, #tpu.memory_space<hbm>> -> memref<64x128xf32, #tpu.memory_space<hbm>>
        %dma_wait3A_548 = arith.constant 0 : i32
        %dma_wait3A_549 = arith.constant 0 : i32
        %dma_wait3A_550 = tpu.memref_slice %arg6[%dma_wait3A_539, %dma_wait3A_548, %dma_wait3A_549] : memref<10x64x128xf32, #tpu.memory_space<vmem>> -> memref<1x64x128xf32, #tpu.memory_space<vmem>>
        %dma_wait3A_551 = tpu.memref_squeeze %dma_wait3A_550 : memref<1x64x128xf32, #tpu.memory_space<vmem>> -> memref<64x128xf32, #tpu.memory_space<vmem>>
        tpu.wait_dma2 semaphore(%arg17 : memref<!tpu.dma_semaphore, #tpu.memory_space<semaphore_mem>>) src(%dma_wait3A_551 : memref<64x128xf32, #tpu.memory_space<vmem>>) dst(%dma_wait3A_547 : memref<64x128xf32, #tpu.memory_space<hbm>>)
        %add3A_552 = arith.constant 1 : i32
        %add3A_553 = arith.addi %scan3A_236, %add3A_552 : i32
        %mul3A_554 = arith.constant 10 : i32
        %mul3A_555 = arith.muli %add3A_553, %mul3A_554 : i32
        %add3A_556 = arith.constant 0 : i32
        %add3A_557 = arith.addi %mul3A_555, %add3A_556 : i32
        %mul3A_558 = arith.constant 64 : i32
        %mul3A_559 = arith.muli %add3A_557, %mul3A_558 : i32
        %dma_start3A_560 = arith.constant 0 : i32
        %dma_start3A_561 = arith.constant 0 : i32
        %dma_start3A_562 = arith.constant 0 : i32
        %dma_start3A_563 = tpu.memref_slice %arg6[%dma_start3A_560, %dma_start3A_561, %dma_start3A_562] : memref<10x64x128xf32, #tpu.memory_space<vmem>> -> memref<1x64x128xf32, #tpu.memory_space<vmem>>
        %dma_start3A_564 = tpu.memref_squeeze %dma_start3A_563 : memref<1x64x128xf32, #tpu.memory_space<vmem>> -> memref<64x128xf32, #tpu.memory_space<vmem>>
        %dma_start3A_565 = tpu.memref_slice %arg5[%mul3A_559] : memref<6400xi32, #tpu.memory_space<vmem>> -> memref<64xi32, #tpu.memory_space<vmem>>
        %dma_start3A_566 = arith.constant 0 : i32
        %dma_start3A_567 = arith.constant 0 : i32
        %dma_start3A_568 = tpu.memref_slice %arg3[%dma_start3A_566, %dma_start3A_567] : memref<100000x128xf32, #tpu.memory_space<hbm>> -> memref<100000x128xf32, #tpu.memory_space<hbm>>
        tpu.enqueue_indirect_dma source(%dma_start3A_568 : memref<100000x128xf32, #tpu.memory_space<hbm>>) target(%dma_start3A_564 : memref<64x128xf32, #tpu.memory_space<vmem>>) offsets(%dma_start3A_565 : memref<64xi32, #tpu.memory_space<vmem>>) semaphore(%arg7 : memref<!tpu.dma_semaphore, #tpu.memory_space<semaphore_mem>>)
        %dma_wait3A_569 = arith.constant 1 : i32
        %dma_wait3A_570 = arith.constant 0 : i32
        %dma_wait3A_571 = arith.constant 0 : i32
        %dma_wait3A_572 = tpu.memref_slice %arg6[%dma_wait3A_569, %dma_wait3A_570, %dma_wait3A_571] : memref<10x64x128xf32, #tpu.memory_space<vmem>> -> memref<1x64x128xf32, #tpu.memory_space<vmem>>
        %dma_wait3A_573 = tpu.memref_squeeze %dma_wait3A_572 : memref<1x64x128xf32, #tpu.memory_space<vmem>> -> memref<64x128xf32, #tpu.memory_space<vmem>>
        %dma_wait3A_574 = arith.constant 0 : i32
        %dma_wait3A_575 = tpu.memref_slice %arg4[%mul3A_2, %dma_wait3A_574] : memref<204800x128xf32, #tpu.memory_space<hbm>> -> memref<64x128xf32, #tpu.memory_space<hbm>>
        %dma_wait3A_576 = arith.constant 0 : i32
        %dma_wait3A_577 = tpu.memref_slice %arg4[%mul3A_2, %dma_wait3A_576] : memref<204800x128xf32, #tpu.memory_space<hbm>> -> memref<64x128xf32, #tpu.memory_space<hbm>>
        %dma_wait3A_578 = arith.constant 0 : i32
        %dma_wait3A_579 = arith.constant 0 : i32
        %dma_wait3A_580 = tpu.memref_slice %arg6[%dma_wait3A_569, %dma_wait3A_578, %dma_wait3A_579] : memref<10x64x128xf32, #tpu.memory_space<vmem>> -> memref<1x64x128xf32, #tpu.memory_space<vmem>>
        %dma_wait3A_581 = tpu.memref_squeeze %dma_wait3A_580 : memref<1x64x128xf32, #tpu.memory_space<vmem>> -> memref<64x128xf32, #tpu.memory_space<vmem>>
        tpu.wait_dma2 semaphore(%arg18 : memref<!tpu.dma_semaphore, #tpu.memory_space<semaphore_mem>>) src(%dma_wait3A_581 : memref<64x128xf32, #tpu.memory_space<vmem>>) dst(%dma_wait3A_577 : memref<64x128xf32, #tpu.memory_space<hbm>>)
        %add3A_582 = arith.constant 1 : i32
        %add3A_583 = arith.addi %scan3A_236, %add3A_582 : i32
        %mul3A_584 = arith.constant 10 : i32
        %mul3A_585 = arith.muli %add3A_583, %mul3A_584 : i32
        %add3A_586 = arith.constant 1 : i32
        %add3A_587 = arith.addi %mul3A_585, %add3A_586 : i32
        %mul3A_588 = arith.constant 64 : i32
        %mul3A_589 = arith.muli %add3A_587, %mul3A_588 : i32
        %dma_start3A_590 = arith.constant 1 : i32
        %dma_start3A_591 = arith.constant 0 : i32
        %dma_start3A_592 = arith.constant 0 : i32
        %dma_start3A_593 = tpu.memref_slice %arg6[%dma_start3A_590, %dma_start3A_591, %dma_start3A_592] : memref<10x64x128xf32, #tpu.memory_space<vmem>> -> memref<1x64x128xf32, #tpu.memory_space<vmem>>
        %dma_start3A_594 = tpu.memref_squeeze %dma_start3A_593 : memref<1x64x128xf32, #tpu.memory_space<vmem>> -> memref<64x128xf32, #tpu.memory_space<vmem>>
        %dma_start3A_595 = tpu.memref_slice %arg5[%mul3A_589] : memref<6400xi32, #tpu.memory_space<vmem>> -> memref<64xi32, #tpu.memory_space<vmem>>
        %dma_start3A_596 = arith.constant 0 : i32
        %dma_start3A_597 = arith.constant 0 : i32
        %dma_start3A_598 = tpu.memref_slice %arg3[%dma_start3A_596, %dma_start3A_597] : memref<100000x128xf32, #tpu.memory_space<hbm>> -> memref<100000x128xf32, #tpu.memory_space<hbm>>
        tpu.enqueue_indirect_dma source(%dma_start3A_598 : memref<100000x128xf32, #tpu.memory_space<hbm>>) target(%dma_start3A_594 : memref<64x128xf32, #tpu.memory_space<vmem>>) offsets(%dma_start3A_595 : memref<64xi32, #tpu.memory_space<vmem>>) semaphore(%arg8 : memref<!tpu.dma_semaphore, #tpu.memory_space<semaphore_mem>>)
        %dma_wait3A_599 = arith.constant 2 : i32
        %dma_wait3A_600 = arith.constant 0 : i32
        %dma_wait3A_601 = arith.constant 0 : i32
        %dma_wait3A_602 = tpu.memref_slice %arg6[%dma_wait3A_599, %dma_wait3A_600, %dma_wait3A_601] : memref<10x64x128xf32, #tpu.memory_space<vmem>> -> memref<1x64x128xf32, #tpu.memory_space<vmem>>
        %dma_wait3A_603 = tpu.memref_squeeze %dma_wait3A_602 : memref<1x64x128xf32, #tpu.memory_space<vmem>> -> memref<64x128xf32, #tpu.memory_space<vmem>>
        %dma_wait3A_604 = arith.constant 0 : i32
        %dma_wait3A_605 = tpu.memref_slice %arg4[%mul3A_2, %dma_wait3A_604] : memref<204800x128xf32, #tpu.memory_space<hbm>> -> memref<64x128xf32, #tpu.memory_space<hbm>>
        %dma_wait3A_606 = arith.constant 0 : i32
        %dma_wait3A_607 = tpu.memref_slice %arg4[%mul3A_2, %dma_wait3A_606] : memref<204800x128xf32, #tpu.memory_space<hbm>> -> memref<64x128xf32, #tpu.memory_space<hbm>>
        %dma_wait3A_608 = arith.constant 0 : i32
        %dma_wait3A_609 = arith.constant 0 : i32
        %dma_wait3A_610 = tpu.memref_slice %arg6[%dma_wait3A_599, %dma_wait3A_608, %dma_wait3A_609] : memref<10x64x128xf32, #tpu.memory_space<vmem>> -> memref<1x64x128xf32, #tpu.memory_space<vmem>>
        %dma_wait3A_611 = tpu.memref_squeeze %dma_wait3A_610 : memref<1x64x128xf32, #tpu.memory_space<vmem>> -> memref<64x128xf32, #tpu.memory_space<vmem>>
        tpu.wait_dma2 semaphore(%arg19 : memref<!tpu.dma_semaphore, #tpu.memory_space<semaphore_mem>>) src(%dma_wait3A_611 : memref<64x128xf32, #tpu.memory_space<vmem>>) dst(%dma_wait3A_607 : memref<64x128xf32, #tpu.memory_space<hbm>>)
        %add3A_612 = arith.constant 1 : i32
        %add3A_613 = arith.addi %scan3A_236, %add3A_612 : i32
        %mul3A_614 = arith.constant 10 : i32
        %mul3A_615 = arith.muli %add3A_613, %mul3A_614 : i32
        %add3A_616 = arith.constant 2 : i32
        %add3A_617 = arith.addi %mul3A_615, %add3A_616 : i32
        %mul3A_618 = arith.constant 64 : i32
        %mul3A_619 = arith.muli %add3A_617, %mul3A_618 : i32
        %dma_start3A_620 = arith.constant 2 : i32
        %dma_start3A_621 = arith.constant 0 : i32
        %dma_start3A_622 = arith.constant 0 : i32
        %dma_start3A_623 = tpu.memref_slice %arg6[%dma_start3A_620, %dma_start3A_621, %dma_start3A_622] : memref<10x64x128xf32, #tpu.memory_space<vmem>> -> memref<1x64x128xf32, #tpu.memory_space<vmem>>
        %dma_start3A_624 = tpu.memref_squeeze %dma_start3A_623 : memref<1x64x128xf32, #tpu.memory_space<vmem>> -> memref<64x128xf32, #tpu.memory_space<vmem>>
        %dma_start3A_625 = tpu.memref_slice %arg5[%mul3A_619] : memref<6400xi32, #tpu.memory_space<vmem>> -> memref<64xi32, #tpu.memory_space<vmem>>
        %dma_start3A_626 = arith.constant 0 : i32
        %dma_start3A_627 = arith.constant 0 : i32
        %dma_start3A_628 = tpu.memref_slice %arg3[%dma_start3A_626, %dma_start3A_627] : memref<100000x128xf32, #tpu.memory_space<hbm>> -> memref<100000x128xf32, #tpu.memory_space<hbm>>
        tpu.enqueue_indirect_dma source(%dma_start3A_628 : memref<100000x128xf32, #tpu.memory_space<hbm>>) target(%dma_start3A_624 : memref<64x128xf32, #tpu.memory_space<vmem>>) offsets(%dma_start3A_625 : memref<64xi32, #tpu.memory_space<vmem>>) semaphore(%arg9 : memref<!tpu.dma_semaphore, #tpu.memory_space<semaphore_mem>>)
        %dma_wait3A_629 = arith.constant 3 : i32
        %dma_wait3A_630 = arith.constant 0 : i32
        %dma_wait3A_631 = arith.constant 0 : i32
        %dma_wait3A_632 = tpu.memref_slice %arg6[%dma_wait3A_629, %dma_wait3A_630, %dma_wait3A_631] : memref<10x64x128xf32, #tpu.memory_space<vmem>> -> memref<1x64x128xf32, #tpu.memory_space<vmem>>
        %dma_wait3A_633 = tpu.memref_squeeze %dma_wait3A_632 : memref<1x64x128xf32, #tpu.memory_space<vmem>> -> memref<64x128xf32, #tpu.memory_space<vmem>>
        %dma_wait3A_634 = arith.constant 0 : i32
        %dma_wait3A_635 = tpu.memref_slice %arg4[%mul3A_2, %dma_wait3A_634] : memref<204800x128xf32, #tpu.memory_space<hbm>> -> memref<64x128xf32, #tpu.memory_space<hbm>>
        %dma_wait3A_636 = arith.constant 0 : i32
        %dma_wait3A_637 = tpu.memref_slice %arg4[%mul3A_2, %dma_wait3A_636] : memref<204800x128xf32, #tpu.memory_space<hbm>> -> memref<64x128xf32, #tpu.memory_space<hbm>>
        %dma_wait3A_638 = arith.constant 0 : i32
        %dma_wait3A_639 = arith.constant 0 : i32
        %dma_wait3A_640 = tpu.memref_slice %arg6[%dma_wait3A_629, %dma_wait3A_638, %dma_wait3A_639] : memref<10x64x128xf32, #tpu.memory_space<vmem>> -> memref<1x64x128xf32, #tpu.memory_space<vmem>>
        %dma_wait3A_641 = tpu.memref_squeeze %dma_wait3A_640 : memref<1x64x128xf32, #tpu.memory_space<vmem>> -> memref<64x128xf32, #tpu.memory_space<vmem>>
        tpu.wait_dma2 semaphore(%arg20 : memref<!tpu.dma_semaphore, #tpu.memory_space<semaphore_mem>>) src(%dma_wait3A_641 : memref<64x128xf32, #tpu.memory_space<vmem>>) dst(%dma_wait3A_637 : memref<64x128xf32, #tpu.memory_space<hbm>>)
        %add3A_642 = arith.constant 1 : i32
        %add3A_643 = arith.addi %scan3A_236, %add3A_642 : i32
        %mul3A_644 = arith.constant 10 : i32
        %mul3A_645 = arith.muli %add3A_643, %mul3A_644 : i32
        %add3A_646 = arith.constant 3 : i32
        %add3A_647 = arith.addi %mul3A_645, %add3A_646 : i32
        %mul3A_648 = arith.constant 64 : i32
        %mul3A_649 = arith.muli %add3A_647, %mul3A_648 : i32
        %dma_start3A_650 = arith.constant 3 : i32
        %dma_start3A_651 = arith.constant 0 : i32
        %dma_start3A_652 = arith.constant 0 : i32
        %dma_start3A_653 = tpu.memref_slice %arg6[%dma_start3A_650, %dma_start3A_651, %dma_start3A_652] : memref<10x64x128xf32, #tpu.memory_space<vmem>> -> memref<1x64x128xf32, #tpu.memory_space<vmem>>
        %dma_start3A_654 = tpu.memref_squeeze %dma_start3A_653 : memref<1x64x128xf32, #tpu.memory_space<vmem>> -> memref<64x128xf32, #tpu.memory_space<vmem>>
        %dma_start3A_655 = tpu.memref_slice %arg5[%mul3A_649] : memref<6400xi32, #tpu.memory_space<vmem>> -> memref<64xi32, #tpu.memory_space<vmem>>
        %dma_start3A_656 = arith.constant 0 : i32
        %dma_start3A_657 = arith.constant 0 : i32
        %dma_start3A_658 = tpu.memref_slice %arg3[%dma_start3A_656, %dma_start3A_657] : memref<100000x128xf32, #tpu.memory_space<hbm>> -> memref<100000x128xf32, #tpu.memory_space<hbm>>
        tpu.enqueue_indirect_dma source(%dma_start3A_658 : memref<100000x128xf32, #tpu.memory_space<hbm>>) target(%dma_start3A_654 : memref<64x128xf32, #tpu.memory_space<vmem>>) offsets(%dma_start3A_655 : memref<64xi32, #tpu.memory_space<vmem>>) semaphore(%arg10 : memref<!tpu.dma_semaphore, #tpu.memory_space<semaphore_mem>>)
        %dma_wait3A_659 = arith.constant 4 : i32
        %dma_wait3A_660 = arith.constant 0 : i32
        %dma_wait3A_661 = arith.constant 0 : i32
        %dma_wait3A_662 = tpu.memref_slice %arg6[%dma_wait3A_659, %dma_wait3A_660, %dma_wait3A_661] : memref<10x64x128xf32, #tpu.memory_space<vmem>> -> memref<1x64x128xf32, #tpu.memory_space<vmem>>
        %dma_wait3A_663 = tpu.memref_squeeze %dma_wait3A_662 : memref<1x64x128xf32, #tpu.memory_space<vmem>> -> memref<64x128xf32, #tpu.memory_space<vmem>>
        %dma_wait3A_664 = arith.constant 0 : i32
        %dma_wait3A_665 = tpu.memref_slice %arg4[%mul3A_2, %dma_wait3A_664] : memref<204800x128xf32, #tpu.memory_space<hbm>> -> memref<64x128xf32, #tpu.memory_space<hbm>>
        %dma_wait3A_666 = arith.constant 0 : i32
        %dma_wait3A_667 = tpu.memref_slice %arg4[%mul3A_2, %dma_wait3A_666] : memref<204800x128xf32, #tpu.memory_space<hbm>> -> memref<64x128xf32, #tpu.memory_space<hbm>>
        %dma_wait3A_668 = arith.constant 0 : i32
        %dma_wait3A_669 = arith.constant 0 : i32
        %dma_wait3A_670 = tpu.memref_slice %arg6[%dma_wait3A_659, %dma_wait3A_668, %dma_wait3A_669] : memref<10x64x128xf32, #tpu.memory_space<vmem>> -> memref<1x64x128xf32, #tpu.memory_space<vmem>>
        %dma_wait3A_671 = tpu.memref_squeeze %dma_wait3A_670 : memref<1x64x128xf32, #tpu.memory_space<vmem>> -> memref<64x128xf32, #tpu.memory_space<vmem>>
        tpu.wait_dma2 semaphore(%arg21 : memref<!tpu.dma_semaphore, #tpu.memory_space<semaphore_mem>>) src(%dma_wait3A_671 : memref<64x128xf32, #tpu.memory_space<vmem>>) dst(%dma_wait3A_667 : memref<64x128xf32, #tpu.memory_space<hbm>>)
        %add3A_672 = arith.constant 1 : i32
        %add3A_673 = arith.addi %scan3A_236, %add3A_672 : i32
        %mul3A_674 = arith.constant 10 : i32
        %mul3A_675 = arith.muli %add3A_673, %mul3A_674 : i32
        %add3A_676 = arith.constant 4 : i32
        %add3A_677 = arith.addi %mul3A_675, %add3A_676 : i32
        %mul3A_678 = arith.constant 64 : i32
        %mul3A_679 = arith.muli %add3A_677, %mul3A_678 : i32
        %dma_start3A_680 = arith.constant 4 : i32
        %dma_start3A_681 = arith.constant 0 : i32
        %dma_start3A_682 = arith.constant 0 : i32
        %dma_start3A_683 = tpu.memref_slice %arg6[%dma_start3A_680, %dma_start3A_681, %dma_start3A_682] : memref<10x64x128xf32, #tpu.memory_space<vmem>> -> memref<1x64x128xf32, #tpu.memory_space<vmem>>
        %dma_start3A_684 = tpu.memref_squeeze %dma_start3A_683 : memref<1x64x128xf32, #tpu.memory_space<vmem>> -> memref<64x128xf32, #tpu.memory_space<vmem>>
        %dma_start3A_685 = tpu.memref_slice %arg5[%mul3A_679] : memref<6400xi32, #tpu.memory_space<vmem>> -> memref<64xi32, #tpu.memory_space<vmem>>
        %dma_start3A_686 = arith.constant 0 : i32
        %dma_start3A_687 = arith.constant 0 : i32
        %dma_start3A_688 = tpu.memref_slice %arg3[%dma_start3A_686, %dma_start3A_687] : memref<100000x128xf32, #tpu.memory_space<hbm>> -> memref<100000x128xf32, #tpu.memory_space<hbm>>
        tpu.enqueue_indirect_dma source(%dma_start3A_688 : memref<100000x128xf32, #tpu.memory_space<hbm>>) target(%dma_start3A_684 : memref<64x128xf32, #tpu.memory_space<vmem>>) offsets(%dma_start3A_685 : memref<64xi32, #tpu.memory_space<vmem>>) semaphore(%arg11 : memref<!tpu.dma_semaphore, #tpu.memory_space<semaphore_mem>>)
        %dma_wait3A_689 = arith.constant 5 : i32
        %dma_wait3A_690 = arith.constant 0 : i32
        %dma_wait3A_691 = arith.constant 0 : i32
        %dma_wait3A_692 = tpu.memref_slice %arg6[%dma_wait3A_689, %dma_wait3A_690, %dma_wait3A_691] : memref<10x64x128xf32, #tpu.memory_space<vmem>> -> memref<1x64x128xf32, #tpu.memory_space<vmem>>
        %dma_wait3A_693 = tpu.memref_squeeze %dma_wait3A_692 : memref<1x64x128xf32, #tpu.memory_space<vmem>> -> memref<64x128xf32, #tpu.memory_space<vmem>>
        %dma_wait3A_694 = arith.constant 0 : i32
        %dma_wait3A_695 = tpu.memref_slice %arg4[%mul3A_2, %dma_wait3A_694] : memref<204800x128xf32, #tpu.memory_space<hbm>> -> memref<64x128xf32, #tpu.memory_space<hbm>>
        %dma_wait3A_696 = arith.constant 0 : i32
        %dma_wait3A_697 = tpu.memref_slice %arg4[%mul3A_2, %dma_wait3A_696] : memref<204800x128xf32, #tpu.memory_space<hbm>> -> memref<64x128xf32, #tpu.memory_space<hbm>>
        %dma_wait3A_698 = arith.constant 0 : i32
        %dma_wait3A_699 = arith.constant 0 : i32
        %dma_wait3A_700 = tpu.memref_slice %arg6[%dma_wait3A_689, %dma_wait3A_698, %dma_wait3A_699] : memref<10x64x128xf32, #tpu.memory_space<vmem>> -> memref<1x64x128xf32, #tpu.memory_space<vmem>>
        %dma_wait3A_701 = tpu.memref_squeeze %dma_wait3A_700 : memref<1x64x128xf32, #tpu.memory_space<vmem>> -> memref<64x128xf32, #tpu.memory_space<vmem>>
        tpu.wait_dma2 semaphore(%arg22 : memref<!tpu.dma_semaphore, #tpu.memory_space<semaphore_mem>>) src(%dma_wait3A_701 : memref<64x128xf32, #tpu.memory_space<vmem>>) dst(%dma_wait3A_697 : memref<64x128xf32, #tpu.memory_space<hbm>>)
        %add3A_702 = arith.constant 1 : i32
        %add3A_703 = arith.addi %scan3A_236, %add3A_702 : i32
        %mul3A_704 = arith.constant 10 : i32
        %mul3A_705 = arith.muli %add3A_703, %mul3A_704 : i32
        %add3A_706 = arith.constant 5 : i32
        %add3A_707 = arith.addi %mul3A_705, %add3A_706 : i32
        %mul3A_708 = arith.constant 64 : i32
        %mul3A_709 = arith.muli %add3A_707, %mul3A_708 : i32
        %dma_start3A_710 = arith.constant 5 : i32
        %dma_start3A_711 = arith.constant 0 : i32
        %dma_start3A_712 = arith.constant 0 : i32
        %dma_start3A_713 = tpu.memref_slice %arg6[%dma_start3A_710, %dma_start3A_711, %dma_start3A_712] : memref<10x64x128xf32, #tpu.memory_space<vmem>> -> memref<1x64x128xf32, #tpu.memory_space<vmem>>
        %dma_start3A_714 = tpu.memref_squeeze %dma_start3A_713 : memref<1x64x128xf32, #tpu.memory_space<vmem>> -> memref<64x128xf32, #tpu.memory_space<vmem>>
        %dma_start3A_715 = tpu.memref_slice %arg5[%mul3A_709] : memref<6400xi32, #tpu.memory_space<vmem>> -> memref<64xi32, #tpu.memory_space<vmem>>
        %dma_start3A_716 = arith.constant 0 : i32
        %dma_start3A_717 = arith.constant 0 : i32
        %dma_start3A_718 = tpu.memref_slice %arg3[%dma_start3A_716, %dma_start3A_717] : memref<100000x128xf32, #tpu.memory_space<hbm>> -> memref<100000x128xf32, #tpu.memory_space<hbm>>
        tpu.enqueue_indirect_dma source(%dma_start3A_718 : memref<100000x128xf32, #tpu.memory_space<hbm>>) target(%dma_start3A_714 : memref<64x128xf32, #tpu.memory_space<vmem>>) offsets(%dma_start3A_715 : memref<64xi32, #tpu.memory_space<vmem>>) semaphore(%arg12 : memref<!tpu.dma_semaphore, #tpu.memory_space<semaphore_mem>>)
        %dma_wait3A_719 = arith.constant 6 : i32
        %dma_wait3A_720 = arith.constant 0 : i32
        %dma_wait3A_721 = arith.constant 0 : i32
        %dma_wait3A_722 = tpu.memref_slice %arg6[%dma_wait3A_719, %dma_wait3A_720, %dma_wait3A_721] : memref<10x64x128xf32, #tpu.memory_space<vmem>> -> memref<1x64x128xf32, #tpu.memory_space<vmem>>
        %dma_wait3A_723 = tpu.memref_squeeze %dma_wait3A_722 : memref<1x64x128xf32, #tpu.memory_space<vmem>> -> memref<64x128xf32, #tpu.memory_space<vmem>>
        %dma_wait3A_724 = arith.constant 0 : i32
        %dma_wait3A_725 = tpu.memref_slice %arg4[%mul3A_2, %dma_wait3A_724] : memref<204800x128xf32, #tpu.memory_space<hbm>> -> memref<64x128xf32, #tpu.memory_space<hbm>>
        %dma_wait3A_726 = arith.constant 0 : i32
        %dma_wait3A_727 = tpu.memref_slice %arg4[%mul3A_2, %dma_wait3A_726] : memref<204800x128xf32, #tpu.memory_space<hbm>> -> memref<64x128xf32, #tpu.memory_space<hbm>>
        %dma_wait3A_728 = arith.constant 0 : i32
        %dma_wait3A_729 = arith.constant 0 : i32
        %dma_wait3A_730 = tpu.memref_slice %arg6[%dma_wait3A_719, %dma_wait3A_728, %dma_wait3A_729] : memref<10x64x128xf32, #tpu.memory_space<vmem>> -> memref<1x64x128xf32, #tpu.memory_space<vmem>>
        %dma_wait3A_731 = tpu.memref_squeeze %dma_wait3A_730 : memref<1x64x128xf32, #tpu.memory_space<vmem>> -> memref<64x128xf32, #tpu.memory_space<vmem>>
        tpu.wait_dma2 semaphore(%arg23 : memref<!tpu.dma_semaphore, #tpu.memory_space<semaphore_mem>>) src(%dma_wait3A_731 : memref<64x128xf32, #tpu.memory_space<vmem>>) dst(%dma_wait3A_727 : memref<64x128xf32, #tpu.memory_space<hbm>>)
        %add3A_732 = arith.constant 1 : i32
        %add3A_733 = arith.addi %scan3A_236, %add3A_732 : i32
        %mul3A_734 = arith.constant 10 : i32
        %mul3A_735 = arith.muli %add3A_733, %mul3A_734 : i32
        %add3A_736 = arith.constant 6 : i32
        %add3A_737 = arith.addi %mul3A_735, %add3A_736 : i32
        %mul3A_738 = arith.constant 64 : i32
        %mul3A_739 = arith.muli %add3A_737, %mul3A_738 : i32
        %dma_start3A_740 = arith.constant 6 : i32
        %dma_start3A_741 = arith.constant 0 : i32
        %dma_start3A_742 = arith.constant 0 : i32
        %dma_start3A_743 = tpu.memref_slice %arg6[%dma_start3A_740, %dma_start3A_741, %dma_start3A_742] : memref<10x64x128xf32, #tpu.memory_space<vmem>> -> memref<1x64x128xf32, #tpu.memory_space<vmem>>
        %dma_start3A_744 = tpu.memref_squeeze %dma_start3A_743 : memref<1x64x128xf32, #tpu.memory_space<vmem>> -> memref<64x128xf32, #tpu.memory_space<vmem>>
        %dma_start3A_745 = tpu.memref_slice %arg5[%mul3A_739] : memref<6400xi32, #tpu.memory_space<vmem>> -> memref<64xi32, #tpu.memory_space<vmem>>
        %dma_start3A_746 = arith.constant 0 : i32
        %dma_start3A_747 = arith.constant 0 : i32
        %dma_start3A_748 = tpu.memref_slice %arg3[%dma_start3A_746, %dma_start3A_747] : memref<100000x128xf32, #tpu.memory_space<hbm>> -> memref<100000x128xf32, #tpu.memory_space<hbm>>
        tpu.enqueue_indirect_dma source(%dma_start3A_748 : memref<100000x128xf32, #tpu.memory_space<hbm>>) target(%dma_start3A_744 : memref<64x128xf32, #tpu.memory_space<vmem>>) offsets(%dma_start3A_745 : memref<64xi32, #tpu.memory_space<vmem>>) semaphore(%arg13 : memref<!tpu.dma_semaphore, #tpu.memory_space<semaphore_mem>>)
        %dma_wait3A_749 = arith.constant 7 : i32
        %dma_wait3A_750 = arith.constant 0 : i32
        %dma_wait3A_751 = arith.constant 0 : i32
        %dma_wait3A_752 = tpu.memref_slice %arg6[%dma_wait3A_749, %dma_wait3A_750, %dma_wait3A_751] : memref<10x64x128xf32, #tpu.memory_space<vmem>> -> memref<1x64x128xf32, #tpu.memory_space<vmem>>
        %dma_wait3A_753 = tpu.memref_squeeze %dma_wait3A_752 : memref<1x64x128xf32, #tpu.memory_space<vmem>> -> memref<64x128xf32, #tpu.memory_space<vmem>>
        %dma_wait3A_754 = arith.constant 0 : i32
        %dma_wait3A_755 = tpu.memref_slice %arg4[%mul3A_2, %dma_wait3A_754] : memref<204800x128xf32, #tpu.memory_space<hbm>> -> memref<64x128xf32, #tpu.memory_space<hbm>>
        %dma_wait3A_756 = arith.constant 0 : i32
        %dma_wait3A_757 = tpu.memref_slice %arg4[%mul3A_2, %dma_wait3A_756] : memref<204800x128xf32, #tpu.memory_space<hbm>> -> memref<64x128xf32, #tpu.memory_space<hbm>>
        %dma_wait3A_758 = arith.constant 0 : i32
        %dma_wait3A_759 = arith.constant 0 : i32
        %dma_wait3A_760 = tpu.memref_slice %arg6[%dma_wait3A_749, %dma_wait3A_758, %dma_wait3A_759] : memref<10x64x128xf32, #tpu.memory_space<vmem>> -> memref<1x64x128xf32, #tpu.memory_space<vmem>>
        %dma_wait3A_761 = tpu.memref_squeeze %dma_wait3A_760 : memref<1x64x128xf32, #tpu.memory_space<vmem>> -> memref<64x128xf32, #tpu.memory_space<vmem>>
        tpu.wait_dma2 semaphore(%arg24 : memref<!tpu.dma_semaphore, #tpu.memory_space<semaphore_mem>>) src(%dma_wait3A_761 : memref<64x128xf32, #tpu.memory_space<vmem>>) dst(%dma_wait3A_757 : memref<64x128xf32, #tpu.memory_space<hbm>>)
        %add3A_762 = arith.constant 1 : i32
        %add3A_763 = arith.addi %scan3A_236, %add3A_762 : i32
        %mul3A_764 = arith.constant 10 : i32
        %mul3A_765 = arith.muli %add3A_763, %mul3A_764 : i32
        %add3A_766 = arith.constant 7 : i32
        %add3A_767 = arith.addi %mul3A_765, %add3A_766 : i32
        %mul3A_768 = arith.constant 64 : i32
        %mul3A_769 = arith.muli %add3A_767, %mul3A_768 : i32
        %dma_start3A_770 = arith.constant 7 : i32
        %dma_start3A_771 = arith.constant 0 : i32
        %dma_start3A_772 = arith.constant 0 : i32
        %dma_start3A_773 = tpu.memref_slice %arg6[%dma_start3A_770, %dma_start3A_771, %dma_start3A_772] : memref<10x64x128xf32, #tpu.memory_space<vmem>> -> memref<1x64x128xf32, #tpu.memory_space<vmem>>
        %dma_start3A_774 = tpu.memref_squeeze %dma_start3A_773 : memref<1x64x128xf32, #tpu.memory_space<vmem>> -> memref<64x128xf32, #tpu.memory_space<vmem>>
        %dma_start3A_775 = tpu.memref_slice %arg5[%mul3A_769] : memref<6400xi32, #tpu.memory_space<vmem>> -> memref<64xi32, #tpu.memory_space<vmem>>
        %dma_start3A_776 = arith.constant 0 : i32
        %dma_start3A_777 = arith.constant 0 : i32
        %dma_start3A_778 = tpu.memref_slice %arg3[%dma_start3A_776, %dma_start3A_777] : memref<100000x128xf32, #tpu.memory_space<hbm>> -> memref<100000x128xf32, #tpu.memory_space<hbm>>
        tpu.enqueue_indirect_dma source(%dma_start3A_778 : memref<100000x128xf32, #tpu.memory_space<hbm>>) target(%dma_start3A_774 : memref<64x128xf32, #tpu.memory_space<vmem>>) offsets(%dma_start3A_775 : memref<64xi32, #tpu.memory_space<vmem>>) semaphore(%arg14 : memref<!tpu.dma_semaphore, #tpu.memory_space<semaphore_mem>>)
        %dma_wait3A_779 = arith.constant 8 : i32
        %dma_wait3A_780 = arith.constant 0 : i32
        %dma_wait3A_781 = arith.constant 0 : i32
        %dma_wait3A_782 = tpu.memref_slice %arg6[%dma_wait3A_779, %dma_wait3A_780, %dma_wait3A_781] : memref<10x64x128xf32, #tpu.memory_space<vmem>> -> memref<1x64x128xf32, #tpu.memory_space<vmem>>
        %dma_wait3A_783 = tpu.memref_squeeze %dma_wait3A_782 : memref<1x64x128xf32, #tpu.memory_space<vmem>> -> memref<64x128xf32, #tpu.memory_space<vmem>>
        %dma_wait3A_784 = arith.constant 0 : i32
        %dma_wait3A_785 = tpu.memref_slice %arg4[%mul3A_2, %dma_wait3A_784] : memref<204800x128xf32, #tpu.memory_space<hbm>> -> memref<64x128xf32, #tpu.memory_space<hbm>>
        %dma_wait3A_786 = arith.constant 0 : i32
        %dma_wait3A_787 = tpu.memref_slice %arg4[%mul3A_2, %dma_wait3A_786] : memref<204800x128xf32, #tpu.memory_space<hbm>> -> memref<64x128xf32, #tpu.memory_space<hbm>>
        %dma_wait3A_788 = arith.constant 0 : i32
        %dma_wait3A_789 = arith.constant 0 : i32
        %dma_wait3A_790 = tpu.memref_slice %arg6[%dma_wait3A_779, %dma_wait3A_788, %dma_wait3A_789] : memref<10x64x128xf32, #tpu.memory_space<vmem>> -> memref<1x64x128xf32, #tpu.memory_space<vmem>>
        %dma_wait3A_791 = tpu.memref_squeeze %dma_wait3A_790 : memref<1x64x128xf32, #tpu.memory_space<vmem>> -> memref<64x128xf32, #tpu.memory_space<vmem>>
        tpu.wait_dma2 semaphore(%arg25 : memref<!tpu.dma_semaphore, #tpu.memory_space<semaphore_mem>>) src(%dma_wait3A_791 : memref<64x128xf32, #tpu.memory_space<vmem>>) dst(%dma_wait3A_787 : memref<64x128xf32, #tpu.memory_space<hbm>>)
        %add3A_792 = arith.constant 1 : i32
        %add3A_793 = arith.addi %scan3A_236, %add3A_792 : i32
        %mul3A_794 = arith.constant 10 : i32
        %mul3A_795 = arith.muli %add3A_793, %mul3A_794 : i32
        %add3A_796 = arith.constant 8 : i32
        %add3A_797 = arith.addi %mul3A_795, %add3A_796 : i32
        %mul3A_798 = arith.constant 64 : i32
        %mul3A_799 = arith.muli %add3A_797, %mul3A_798 : i32
        %dma_start3A_800 = arith.constant 8 : i32
        %dma_start3A_801 = arith.constant 0 : i32
        %dma_start3A_802 = arith.constant 0 : i32
        %dma_start3A_803 = tpu.memref_slice %arg6[%dma_start3A_800, %dma_start3A_801, %dma_start3A_802] : memref<10x64x128xf32, #tpu.memory_space<vmem>> -> memref<1x64x128xf32, #tpu.memory_space<vmem>>
        %dma_start3A_804 = tpu.memref_squeeze %dma_start3A_803 : memref<1x64x128xf32, #tpu.memory_space<vmem>> -> memref<64x128xf32, #tpu.memory_space<vmem>>
        %dma_start3A_805 = tpu.memref_slice %arg5[%mul3A_799] : memref<6400xi32, #tpu.memory_space<vmem>> -> memref<64xi32, #tpu.memory_space<vmem>>
        %dma_start3A_806 = arith.constant 0 : i32
        %dma_start3A_807 = arith.constant 0 : i32
        %dma_start3A_808 = tpu.memref_slice %arg3[%dma_start3A_806, %dma_start3A_807] : memref<100000x128xf32, #tpu.memory_space<hbm>> -> memref<100000x128xf32, #tpu.memory_space<hbm>>
        tpu.enqueue_indirect_dma source(%dma_start3A_808 : memref<100000x128xf32, #tpu.memory_space<hbm>>) target(%dma_start3A_804 : memref<64x128xf32, #tpu.memory_space<vmem>>) offsets(%dma_start3A_805 : memref<64xi32, #tpu.memory_space<vmem>>) semaphore(%arg15 : memref<!tpu.dma_semaphore, #tpu.memory_space<semaphore_mem>>)
        %dma_wait3A_809 = arith.constant 9 : i32
        %dma_wait3A_810 = arith.constant 0 : i32
        %dma_wait3A_811 = arith.constant 0 : i32
        %dma_wait3A_812 = tpu.memref_slice %arg6[%dma_wait3A_809, %dma_wait3A_810, %dma_wait3A_811] : memref<10x64x128xf32, #tpu.memory_space<vmem>> -> memref<1x64x128xf32, #tpu.memory_space<vmem>>
        %dma_wait3A_813 = tpu.memref_squeeze %dma_wait3A_812 : memref<1x64x128xf32, #tpu.memory_space<vmem>> -> memref<64x128xf32, #tpu.memory_space<vmem>>
        %dma_wait3A_814 = arith.constant 0 : i32
        %dma_wait3A_815 = tpu.memref_slice %arg4[%mul3A_2, %dma_wait3A_814] : memref<204800x128xf32, #tpu.memory_space<hbm>> -> memref<64x128xf32, #tpu.memory_space<hbm>>
        %dma_wait3A_816 = arith.constant 0 : i32
        %dma_wait3A_817 = tpu.memref_slice %arg4[%mul3A_2, %dma_wait3A_816] : memref<204800x128xf32, #tpu.memory_space<hbm>> -> memref<64x128xf32, #tpu.memory_space<hbm>>
        %dma_wait3A_818 = arith.constant 0 : i32
        %dma_wait3A_819 = arith.constant 0 : i32
        %dma_wait3A_820 = tpu.memref_slice %arg6[%dma_wait3A_809, %dma_wait3A_818, %dma_wait3A_819] : memref<10x64x128xf32, #tpu.memory_space<vmem>> -> memref<1x64x128xf32, #tpu.memory_space<vmem>>
        %dma_wait3A_821 = tpu.memref_squeeze %dma_wait3A_820 : memref<1x64x128xf32, #tpu.memory_space<vmem>> -> memref<64x128xf32, #tpu.memory_space<vmem>>
        tpu.wait_dma2 semaphore(%arg26 : memref<!tpu.dma_semaphore, #tpu.memory_space<semaphore_mem>>) src(%dma_wait3A_821 : memref<64x128xf32, #tpu.memory_space<vmem>>) dst(%dma_wait3A_817 : memref<64x128xf32, #tpu.memory_space<hbm>>)
        %add3A_822 = arith.constant 1 : i32
        %add3A_823 = arith.addi %scan3A_236, %add3A_822 : i32
        %mul3A_824 = arith.constant 10 : i32
        %mul3A_825 = arith.muli %add3A_823, %mul3A_824 : i32
        %add3A_826 = arith.constant 9 : i32
        %add3A_827 = arith.addi %mul3A_825, %add3A_826 : i32
        %mul3A_828 = arith.constant 64 : i32
        %mul3A_829 = arith.muli %add3A_827, %mul3A_828 : i32
        %dma_start3A_830 = arith.constant 9 : i32
        %dma_start3A_831 = arith.constant 0 : i32
        %dma_start3A_832 = arith.constant 0 : i32
        %dma_start3A_833 = tpu.memref_slice %arg6[%dma_start3A_830, %dma_start3A_831, %dma_start3A_832] : memref<10x64x128xf32, #tpu.memory_space<vmem>> -> memref<1x64x128xf32, #tpu.memory_space<vmem>>
        %dma_start3A_834 = tpu.memref_squeeze %dma_start3A_833 : memref<1x64x128xf32, #tpu.memory_space<vmem>> -> memref<64x128xf32, #tpu.memory_space<vmem>>
        %dma_start3A_835 = tpu.memref_slice %arg5[%mul3A_829] : memref<6400xi32, #tpu.memory_space<vmem>> -> memref<64xi32, #tpu.memory_space<vmem>>
        %dma_start3A_836 = arith.constant 0 : i32
        %dma_start3A_837 = arith.constant 0 : i32
        %dma_start3A_838 = tpu.memref_slice %arg3[%dma_start3A_836, %dma_start3A_837] : memref<100000x128xf32, #tpu.memory_space<hbm>> -> memref<100000x128xf32, #tpu.memory_space<hbm>>
        tpu.enqueue_indirect_dma source(%dma_start3A_838 : memref<100000x128xf32, #tpu.memory_space<hbm>>) target(%dma_start3A_834 : memref<64x128xf32, #tpu.memory_space<vmem>>) offsets(%dma_start3A_835 : memref<64xi32, #tpu.memory_space<vmem>>) semaphore(%arg16 : memref<!tpu.dma_semaphore, #tpu.memory_space<semaphore_mem>>)
      } else {
      }
    }
    %scan3A_106 = arith.constant 10 : i32
    %dma_wait3A = arith.constant 0 : i32
    %dma_wait3A_107 = arith.constant 0 : i32
    %dma_wait3A_108 = arith.constant 0 : i32
    %dma_wait3A_109 = tpu.memref_slice %arg6[%dma_wait3A, %dma_wait3A_107, %dma_wait3A_108] : memref<10x64x128xf32, #tpu.memory_space<vmem>> -> memref<1x64x128xf32, #tpu.memory_space<vmem>>
    %dma_wait3A_110 = tpu.memref_squeeze %dma_wait3A_109 : memref<1x64x128xf32, #tpu.memory_space<vmem>> -> memref<64x128xf32, #tpu.memory_space<vmem>>
    %dma_wait3A_111 = arith.constant 0 : i32
    %dma_wait3A_112 = tpu.memref_slice %arg4[%mul3A_2, %dma_wait3A_111] : memref<204800x128xf32, #tpu.memory_space<hbm>> -> memref<64x128xf32, #tpu.memory_space<hbm>>
    %dma_wait3A_113 = arith.constant 0 : i32
    %dma_wait3A_114 = tpu.memref_slice %arg4[%mul3A_2, %dma_wait3A_113] : memref<204800x128xf32, #tpu.memory_space<hbm>> -> memref<64x128xf32, #tpu.memory_space<hbm>>
    %dma_wait3A_115 = arith.constant 0 : i32
    %dma_wait3A_116 = arith.constant 0 : i32
    %dma_wait3A_117 = tpu.memref_slice %arg6[%dma_wait3A, %dma_wait3A_115, %dma_wait3A_116] : memref<10x64x128xf32, #tpu.memory_space<vmem>> -> memref<1x64x128xf32, #tpu.memory_space<vmem>>
    %dma_wait3A_118 = tpu.memref_squeeze %dma_wait3A_117 : memref<1x64x128xf32, #tpu.memory_space<vmem>> -> memref<64x128xf32, #tpu.memory_space<vmem>>
    tpu.wait_dma2 semaphore(%arg17 : memref<!tpu.dma_semaphore, #tpu.memory_space<semaphore_mem>>) src(%dma_wait3A_118 : memref<64x128xf32, #tpu.memory_space<vmem>>) dst(%dma_wait3A_114 : memref<64x128xf32, #tpu.memory_space<hbm>>)
    %dma_wait3A_119 = arith.constant 1 : i32
    %dma_wait3A_120 = arith.constant 0 : i32
    %dma_wait3A_121 = arith.constant 0 : i32
    %dma_wait3A_122 = tpu.memref_slice %arg6[%dma_wait3A_119, %dma_wait3A_120, %dma_wait3A_121] : memref<10x64x128xf32, #tpu.memory_space<vmem>> -> memref<1x64x128xf32, #tpu.memory_space<vmem>>
    %dma_wait3A_123 = tpu.memref_squeeze %dma_wait3A_122 : memref<1x64x128xf32, #tpu.memory_space<vmem>> -> memref<64x128xf32, #tpu.memory_space<vmem>>
    %dma_wait3A_124 = arith.constant 0 : i32
    %dma_wait3A_125 = tpu.memref_slice %arg4[%mul3A_2, %dma_wait3A_124] : memref<204800x128xf32, #tpu.memory_space<hbm>> -> memref<64x128xf32, #tpu.memory_space<hbm>>
    %dma_wait3A_126 = arith.constant 0 : i32
    %dma_wait3A_127 = tpu.memref_slice %arg4[%mul3A_2, %dma_wait3A_126] : memref<204800x128xf32, #tpu.memory_space<hbm>> -> memref<64x128xf32, #tpu.memory_space<hbm>>
    %dma_wait3A_128 = arith.constant 0 : i32
    %dma_wait3A_129 = arith.constant 0 : i32
    %dma_wait3A_130 = tpu.memref_slice %arg6[%dma_wait3A_119, %dma_wait3A_128, %dma_wait3A_129] : memref<10x64x128xf32, #tpu.memory_space<vmem>> -> memref<1x64x128xf32, #tpu.memory_space<vmem>>
    %dma_wait3A_131 = tpu.memref_squeeze %dma_wait3A_130 : memref<1x64x128xf32, #tpu.memory_space<vmem>> -> memref<64x128xf32, #tpu.memory_space<vmem>>
    tpu.wait_dma2 semaphore(%arg18 : memref<!tpu.dma_semaphore, #tpu.memory_space<semaphore_mem>>) src(%dma_wait3A_131 : memref<64x128xf32, #tpu.memory_space<vmem>>) dst(%dma_wait3A_127 : memref<64x128xf32, #tpu.memory_space<hbm>>)
    %dma_wait3A_132 = arith.constant 2 : i32
    %dma_wait3A_133 = arith.constant 0 : i32
    %dma_wait3A_134 = arith.constant 0 : i32
    %dma_wait3A_135 = tpu.memref_slice %arg6[%dma_wait3A_132, %dma_wait3A_133, %dma_wait3A_134] : memref<10x64x128xf32, #tpu.memory_space<vmem>> -> memref<1x64x128xf32, #tpu.memory_space<vmem>>
    %dma_wait3A_136 = tpu.memref_squeeze %dma_wait3A_135 : memref<1x64x128xf32, #tpu.memory_space<vmem>> -> memref<64x128xf32, #tpu.memory_space<vmem>>
    %dma_wait3A_137 = arith.constant 0 : i32
    %dma_wait3A_138 = tpu.memref_slice %arg4[%mul3A_2, %dma_wait3A_137] : memref<204800x128xf32, #tpu.memory_space<hbm>> -> memref<64x128xf32, #tpu.memory_space<hbm>>
    %dma_wait3A_139 = arith.constant 0 : i32
    %dma_wait3A_140 = tpu.memref_slice %arg4[%mul3A_2, %dma_wait3A_139] : memref<204800x128xf32, #tpu.memory_space<hbm>> -> memref<64x128xf32, #tpu.memory_space<hbm>>
    %dma_wait3A_141 = arith.constant 0 : i32
    %dma_wait3A_142 = arith.constant 0 : i32
    %dma_wait3A_143 = tpu.memref_slice %arg6[%dma_wait3A_132, %dma_wait3A_141, %dma_wait3A_142] : memref<10x64x128xf32, #tpu.memory_space<vmem>> -> memref<1x64x128xf32, #tpu.memory_space<vmem>>
    %dma_wait3A_144 = tpu.memref_squeeze %dma_wait3A_143 : memref<1x64x128xf32, #tpu.memory_space<vmem>> -> memref<64x128xf32, #tpu.memory_space<vmem>>
    tpu.wait_dma2 semaphore(%arg19 : memref<!tpu.dma_semaphore, #tpu.memory_space<semaphore_mem>>) src(%dma_wait3A_144 : memref<64x128xf32, #tpu.memory_space<vmem>>) dst(%dma_wait3A_140 : memref<64x128xf32, #tpu.memory_space<hbm>>)
    %dma_wait3A_145 = arith.constant 3 : i32
    %dma_wait3A_146 = arith.constant 0 : i32
    %dma_wait3A_147 = arith.constant 0 : i32
    %dma_wait3A_148 = tpu.memref_slice %arg6[%dma_wait3A_145, %dma_wait3A_146, %dma_wait3A_147] : memref<10x64x128xf32, #tpu.memory_space<vmem>> -> memref<1x64x128xf32, #tpu.memory_space<vmem>>
    %dma_wait3A_149 = tpu.memref_squeeze %dma_wait3A_148 : memref<1x64x128xf32, #tpu.memory_space<vmem>> -> memref<64x128xf32, #tpu.memory_space<vmem>>
    %dma_wait3A_150 = arith.constant 0 : i32
    %dma_wait3A_151 = tpu.memref_slice %arg4[%mul3A_2, %dma_wait3A_150] : memref<204800x128xf32, #tpu.memory_space<hbm>> -> memref<64x128xf32, #tpu.memory_space<hbm>>
    %dma_wait3A_152 = arith.constant 0 : i32
    %dma_wait3A_153 = tpu.memref_slice %arg4[%mul3A_2, %dma_wait3A_152] : memref<204800x128xf32, #tpu.memory_space<hbm>> -> memref<64x128xf32, #tpu.memory_space<hbm>>
    %dma_wait3A_154 = arith.constant 0 : i32
    %dma_wait3A_155 = arith.constant 0 : i32
    %dma_wait3A_156 = tpu.memref_slice %arg6[%dma_wait3A_145, %dma_wait3A_154, %dma_wait3A_155] : memref<10x64x128xf32, #tpu.memory_space<vmem>> -> memref<1x64x128xf32, #tpu.memory_space<vmem>>
    %dma_wait3A_157 = tpu.memref_squeeze %dma_wait3A_156 : memref<1x64x128xf32, #tpu.memory_space<vmem>> -> memref<64x128xf32, #tpu.memory_space<vmem>>
    tpu.wait_dma2 semaphore(%arg20 : memref<!tpu.dma_semaphore, #tpu.memory_space<semaphore_mem>>) src(%dma_wait3A_157 : memref<64x128xf32, #tpu.memory_space<vmem>>) dst(%dma_wait3A_153 : memref<64x128xf32, #tpu.memory_space<hbm>>)
    %dma_wait3A_158 = arith.constant 4 : i32
    %dma_wait3A_159 = arith.constant 0 : i32
    %dma_wait3A_160 = arith.constant 0 : i32
    %dma_wait3A_161 = tpu.memref_slice %arg6[%dma_wait3A_158, %dma_wait3A_159, %dma_wait3A_160] : memref<10x64x128xf32, #tpu.memory_space<vmem>> -> memref<1x64x128xf32, #tpu.memory_space<vmem>>
    %dma_wait3A_162 = tpu.memref_squeeze %dma_wait3A_161 : memref<1x64x128xf32, #tpu.memory_space<vmem>> -> memref<64x128xf32, #tpu.memory_space<vmem>>
    %dma_wait3A_163 = arith.constant 0 : i32
    %dma_wait3A_164 = tpu.memref_slice %arg4[%mul3A_2, %dma_wait3A_163] : memref<204800x128xf32, #tpu.memory_space<hbm>> -> memref<64x128xf32, #tpu.memory_space<hbm>>
    %dma_wait3A_165 = arith.constant 0 : i32
    %dma_wait3A_166 = tpu.memref_slice %arg4[%mul3A_2, %dma_wait3A_165] : memref<204800x128xf32, #tpu.memory_space<hbm>> -> memref<64x128xf32, #tpu.memory_space<hbm>>
    %dma_wait3A_167 = arith.constant 0 : i32
    %dma_wait3A_168 = arith.constant 0 : i32
    %dma_wait3A_169 = tpu.memref_slice %arg6[%dma_wait3A_158, %dma_wait3A_167, %dma_wait3A_168] : memref<10x64x128xf32, #tpu.memory_space<vmem>> -> memref<1x64x128xf32, #tpu.memory_space<vmem>>
    %dma_wait3A_170 = tpu.memref_squeeze %dma_wait3A_169 : memref<1x64x128xf32, #tpu.memory_space<vmem>> -> memref<64x128xf32, #tpu.memory_space<vmem>>
    tpu.wait_dma2 semaphore(%arg21 : memref<!tpu.dma_semaphore, #tpu.memory_space<semaphore_mem>>) src(%dma_wait3A_170 : memref<64x128xf32, #tpu.memory_space<vmem>>) dst(%dma_wait3A_166 : memref<64x128xf32, #tpu.memory_space<hbm>>)
    %dma_wait3A_171 = arith.constant 5 : i32
    %dma_wait3A_172 = arith.constant 0 : i32
    %dma_wait3A_173 = arith.constant 0 : i32
    %dma_wait3A_174 = tpu.memref_slice %arg6[%dma_wait3A_171, %dma_wait3A_172, %dma_wait3A_173] : memref<10x64x128xf32, #tpu.memory_space<vmem>> -> memref<1x64x128xf32, #tpu.memory_space<vmem>>
    %dma_wait3A_175 = tpu.memref_squeeze %dma_wait3A_174 : memref<1x64x128xf32, #tpu.memory_space<vmem>> -> memref<64x128xf32, #tpu.memory_space<vmem>>
    %dma_wait3A_176 = arith.constant 0 : i32
    %dma_wait3A_177 = tpu.memref_slice %arg4[%mul3A_2, %dma_wait3A_176] : memref<204800x128xf32, #tpu.memory_space<hbm>> -> memref<64x128xf32, #tpu.memory_space<hbm>>
    %dma_wait3A_178 = arith.constant 0 : i32
    %dma_wait3A_179 = tpu.memref_slice %arg4[%mul3A_2, %dma_wait3A_178] : memref<204800x128xf32, #tpu.memory_space<hbm>> -> memref<64x128xf32, #tpu.memory_space<hbm>>
    %dma_wait3A_180 = arith.constant 0 : i32
    %dma_wait3A_181 = arith.constant 0 : i32
    %dma_wait3A_182 = tpu.memref_slice %arg6[%dma_wait3A_171, %dma_wait3A_180, %dma_wait3A_181] : memref<10x64x128xf32, #tpu.memory_space<vmem>> -> memref<1x64x128xf32, #tpu.memory_space<vmem>>
    %dma_wait3A_183 = tpu.memref_squeeze %dma_wait3A_182 : memref<1x64x128xf32, #tpu.memory_space<vmem>> -> memref<64x128xf32, #tpu.memory_space<vmem>>
    tpu.wait_dma2 semaphore(%arg22 : memref<!tpu.dma_semaphore, #tpu.memory_space<semaphore_mem>>) src(%dma_wait3A_183 : memref<64x128xf32, #tpu.memory_space<vmem>>) dst(%dma_wait3A_179 : memref<64x128xf32, #tpu.memory_space<hbm>>)
    %dma_wait3A_184 = arith.constant 6 : i32
    %dma_wait3A_185 = arith.constant 0 : i32
    %dma_wait3A_186 = arith.constant 0 : i32
    %dma_wait3A_187 = tpu.memref_slice %arg6[%dma_wait3A_184, %dma_wait3A_185, %dma_wait3A_186] : memref<10x64x128xf32, #tpu.memory_space<vmem>> -> memref<1x64x128xf32, #tpu.memory_space<vmem>>
    %dma_wait3A_188 = tpu.memref_squeeze %dma_wait3A_187 : memref<1x64x128xf32, #tpu.memory_space<vmem>> -> memref<64x128xf32, #tpu.memory_space<vmem>>
    %dma_wait3A_189 = arith.constant 0 : i32
    %dma_wait3A_190 = tpu.memref_slice %arg4[%mul3A_2, %dma_wait3A_189] : memref<204800x128xf32, #tpu.memory_space<hbm>> -> memref<64x128xf32, #tpu.memory_space<hbm>>
    %dma_wait3A_191 = arith.constant 0 : i32
    %dma_wait3A_192 = tpu.memref_slice %arg4[%mul3A_2, %dma_wait3A_191] : memref<204800x128xf32, #tpu.memory_space<hbm>> -> memref<64x128xf32, #tpu.memory_space<hbm>>
    %dma_wait3A_193 = arith.constant 0 : i32
    %dma_wait3A_194 = arith.constant 0 : i32
    %dma_wait3A_195 = tpu.memref_slice %arg6[%dma_wait3A_184, %dma_wait3A_193, %dma_wait3A_194] : memref<10x64x128xf32, #tpu.memory_space<vmem>> -> memref<1x64x128xf32, #tpu.memory_space<vmem>>
    %dma_wait3A_196 = tpu.memref_squeeze %dma_wait3A_195 : memref<1x64x128xf32, #tpu.memory_space<vmem>> -> memref<64x128xf32, #tpu.memory_space<vmem>>
    tpu.wait_dma2 semaphore(%arg23 : memref<!tpu.dma_semaphore, #tpu.memory_space<semaphore_mem>>) src(%dma_wait3A_196 : memref<64x128xf32, #tpu.memory_space<vmem>>) dst(%dma_wait3A_192 : memref<64x128xf32, #tpu.memory_space<hbm>>)
    %dma_wait3A_197 = arith.constant 7 : i32
    %dma_wait3A_198 = arith.constant 0 : i32
    %dma_wait3A_199 = arith.constant 0 : i32
    %dma_wait3A_200 = tpu.memref_slice %arg6[%dma_wait3A_197, %dma_wait3A_198, %dma_wait3A_199] : memref<10x64x128xf32, #tpu.memory_space<vmem>> -> memref<1x64x128xf32, #tpu.memory_space<vmem>>
    %dma_wait3A_201 = tpu.memref_squeeze %dma_wait3A_200 : memref<1x64x128xf32, #tpu.memory_space<vmem>> -> memref<64x128xf32, #tpu.memory_space<vmem>>
    %dma_wait3A_202 = arith.constant 0 : i32
    %dma_wait3A_203 = tpu.memref_slice %arg4[%mul3A_2, %dma_wait3A_202] : memref<204800x128xf32, #tpu.memory_space<hbm>> -> memref<64x128xf32, #tpu.memory_space<hbm>>
    %dma_wait3A_204 = arith.constant 0 : i32
    %dma_wait3A_205 = tpu.memref_slice %arg4[%mul3A_2, %dma_wait3A_204] : memref<204800x128xf32, #tpu.memory_space<hbm>> -> memref<64x128xf32, #tpu.memory_space<hbm>>
    %dma_wait3A_206 = arith.constant 0 : i32
    %dma_wait3A_207 = arith.constant 0 : i32
    %dma_wait3A_208 = tpu.memref_slice %arg6[%dma_wait3A_197, %dma_wait3A_206, %dma_wait3A_207] : memref<10x64x128xf32, #tpu.memory_space<vmem>> -> memref<1x64x128xf32, #tpu.memory_space<vmem>>
    %dma_wait3A_209 = tpu.memref_squeeze %dma_wait3A_208 : memref<1x64x128xf32, #tpu.memory_space<vmem>> -> memref<64x128xf32, #tpu.memory_space<vmem>>
    tpu.wait_dma2 semaphore(%arg24 : memref<!tpu.dma_semaphore, #tpu.memory_space<semaphore_mem>>) src(%dma_wait3A_209 : memref<64x128xf32, #tpu.memory_space<vmem>>) dst(%dma_wait3A_205 : memref<64x128xf32, #tpu.memory_space<hbm>>)
    %dma_wait3A_210 = arith.constant 8 : i32
    %dma_wait3A_211 = arith.constant 0 : i32
    %dma_wait3A_212 = arith.constant 0 : i32
    %dma_wait3A_213 = tpu.memref_slice %arg6[%dma_wait3A_210, %dma_wait3A_211, %dma_wait3A_212] : memref<10x64x128xf32, #tpu.memory_space<vmem>> -> memref<1x64x128xf32, #tpu.memory_space<vmem>>
    %dma_wait3A_214 = tpu.memref_squeeze %dma_wait3A_213 : memref<1x64x128xf32, #tpu.memory_space<vmem>> -> memref<64x128xf32, #tpu.memory_space<vmem>>
    %dma_wait3A_215 = arith.constant 0 : i32
    %dma_wait3A_216 = tpu.memref_slice %arg4[%mul3A_2, %dma_wait3A_215] : memref<204800x128xf32, #tpu.memory_space<hbm>> -> memref<64x128xf32, #tpu.memory_space<hbm>>
    %dma_wait3A_217 = arith.constant 0 : i32
    %dma_wait3A_218 = tpu.memref_slice %arg4[%mul3A_2, %dma_wait3A_217] : memref<204800x128xf32, #tpu.memory_space<hbm>> -> memref<64x128xf32, #tpu.memory_space<hbm>>
    %dma_wait3A_219 = arith.constant 0 : i32
    %dma_wait3A_220 = arith.constant 0 : i32
    %dma_wait3A_221 = tpu.memref_slice %arg6[%dma_wait3A_210, %dma_wait3A_219, %dma_wait3A_220] : memref<10x64x128xf32, #tpu.memory_space<vmem>> -> memref<1x64x128xf32, #tpu.memory_space<vmem>>
    %dma_wait3A_222 = tpu.memref_squeeze %dma_wait3A_221 : memref<1x64x128xf32, #tpu.memory_space<vmem>> -> memref<64x128xf32, #tpu.memory_space<vmem>>
    tpu.wait_dma2 semaphore(%arg25 : memref<!tpu.dma_semaphore, #tpu.memory_space<semaphore_mem>>) src(%dma_wait3A_222 : memref<64x128xf32, #tpu.memory_space<vmem>>) dst(%dma_wait3A_218 : memref<64x128xf32, #tpu.memory_space<hbm>>)
    %dma_wait3A_223 = arith.constant 9 : i32
    %dma_wait3A_224 = arith.constant 0 : i32
    %dma_wait3A_225 = arith.constant 0 : i32
    %dma_wait3A_226 = tpu.memref_slice %arg6[%dma_wait3A_223, %dma_wait3A_224, %dma_wait3A_225] : memref<10x64x128xf32, #tpu.memory_space<vmem>> -> memref<1x64x128xf32, #tpu.memory_space<vmem>>
    %dma_wait3A_227 = tpu.memref_squeeze %dma_wait3A_226 : memref<1x64x128xf32, #tpu.memory_space<vmem>> -> memref<64x128xf32, #tpu.memory_space<vmem>>
    %dma_wait3A_228 = arith.constant 0 : i32
    %dma_wait3A_229 = tpu.memref_slice %arg4[%mul3A_2, %dma_wait3A_228] : memref<204800x128xf32, #tpu.memory_space<hbm>> -> memref<64x128xf32, #tpu.memory_space<hbm>>
    %dma_wait3A_230 = arith.constant 0 : i32
    %dma_wait3A_231 = tpu.memref_slice %arg4[%mul3A_2, %dma_wait3A_230] : memref<204800x128xf32, #tpu.memory_space<hbm>> -> memref<64x128xf32, #tpu.memory_space<hbm>>
    %dma_wait3A_232 = arith.constant 0 : i32
    %dma_wait3A_233 = arith.constant 0 : i32
    %dma_wait3A_234 = tpu.memref_slice %arg6[%dma_wait3A_223, %dma_wait3A_232, %dma_wait3A_233] : memref<10x64x128xf32, #tpu.memory_space<vmem>> -> memref<1x64x128xf32, #tpu.memory_space<vmem>>
    %dma_wait3A_235 = tpu.memref_squeeze %dma_wait3A_234 : memref<1x64x128xf32, #tpu.memory_space<vmem>> -> memref<64x128xf32, #tpu.memory_space<vmem>>
    tpu.wait_dma2 semaphore(%arg26 : memref<!tpu.dma_semaphore, #tpu.memory_space<semaphore_mem>>) src(%dma_wait3A_235 : memref<64x128xf32, #tpu.memory_space<vmem>>) dst(%dma_wait3A_231 : memref<64x128xf32, #tpu.memory_space<hbm>>)
    return
  }
}

</mosaic_0001>

<sc_bundles>
// kernel: kernel.3.cloned.1.call-start
scs
__scs_entry_jumppad:
0x0: {  	(pc) =	sbr.rel $0x88, $3  }
0x1: {  	(tag) =	ssettag $0x0;
	lr =	simm.s32 $0x1  }
0x2: {  	[smem:$0x3F9F] =	sst lr;
	_ =	strace $0xD0000000  }
0x3: {  	_ = 	snop  }
0x4: {  	_ = 	snop  }
0x5: {  	_ = 	snop  }
0x6: {  	_ = 	snop  }
0x7: {  	_ = 	snop  }
__scs_overlays_trampoline_lowered:
0x8: {  	[smem:$0x3FAE] =	sst s0  }
0x9: {  	[smem:$0x3FAF] =	sst s1  }
0xa: {  	[smem:$0x3FB0] =	sst s2  }
0xb: {  	[smem:$0x3FB1] =	sst s3  }
0xc: {  	[smem:$0x3FB2] =	sst s4  }
0xd: {  	[smem:$0x3FB3] =	sst s5  }
0xe: {  	[smem:$0x3FB4] =	sst s6  }
0xf: {  	[smem:$0x3FB5] =	sst s7  }
0x10: {  	[smem:$0x3FB6] =	sst s8  }
0x11: {  	[smem:$0x3FB7] =	sst s9;
	s0 =	simm.s32 @!p0 $0x0  }
0x12: {  	s1 =	sld [smem:$0x3F9D];
	s0 =	simm.s32 @p0 $0x1  }
0x13: {  	[smem:$0x3FB8] =	sst s0;
	s0 =	simm.s32 @!p1 $0x0  }
0x14: {  	s2 =	sld [smem:$0x3F9C];
	s0 =	simm.s32 @p1 $0x1  }
0x15: {  	[smem:$0x3FB9] =	sst s0;
	s0 =	simm.s32 @!p2 $0x0  }
0x16: {  	s3 =	sld [smem:$0x3FDB];
	s0 =	simm.s32 @p2 $0x1  }
0x17: {  	s4 =	simm.s32 $0x1BF5;
	[smem:$0x3FBB] =	sst s0  }
0x18: {  	s0 =	sld [smem:$0x3F9E];
	_ =	swait.ge [sflag:s4], $0x0  }
0x19: {  	s7 =	sld [smem:$0x3F9F]  }
0x1a: {  	s8 =	sadd.s32 $0xFFFFE003, lr  }
0x1b: {  	s9 =	sadd.s32 $0xFFFFFEF7, lr;
	s5 =	simm.s32 $0xFFFFFFFF;
	p2 =	slt.u32 s8, $0xFFFFF086  }
0x1c: {  	p1 =	slt.u32 s9, $0xF7A;
	s5 =	simm.s32 @!p2 $0x0  }
0x1d: {  	s5 =	simm.s32 @p1 $0x1;
	p0 =	seq.s32 s7, s2  }
0x1e: {  	s7 =	smul.u32 @!p0 $0xF7A, s2;
	p2 =	seq.s32 @!p0 s5, $0x0  }
0x1f: {  	s9 =	smul.u32 $0xF7A, s1;
	s8 =	simm.s32 @!p0 $0x1BF5;
	p2 =	por !p2, p0  }
0x20: {  	[sflag:s8] =	ssyncset.s32 @!p0 $0xFFFFF086;
	s6 =	sadd.s32 @!p0 s3, s7;
	s7 =	simm.s32 @!p0 $0x108  }
0x21: {  	s3 =	sadd.s32 s3, s9;
	s6 =	sadd.s32 @!p0 $0x88, s6;
	s7 =	simm.s32 @p2 $0x1082  }
0x22: {  	[simem:s7], [sflag:s8] =	dma.local @!p0 [hbm:s6], $0xF7A  }
0x23: {  	s9 =	sor.u32 $0xD0000000, s2;
	s6 =	simm.s32 $0x108;
	_ =	swait.ge @!p0 [sflag:s8], $0x0  }
0x24: {  	s3 =	sadd.s32 $0x88, s3;
	s6 =	simm.s32 @!p1 $0x1082;
	[sflag:s4] =	ssyncset.s32 $0xFFFFF086  }
0x25: {  	[simem:s6], [sflag:s4] =	dma.local [hbm:s3], $0xF7A  }
0x26: {  	[smem:$0x3F9F] =	sst s1;
	(tag) =	ssettag s2;
	_ =	strace s9  }
0x27: {  	s1 =	sld [smem:$0x3FAF]  }
0x28: {  	s2 =	sld [smem:$0x3FB0]  }
0x29: {  	s4 =	sld [smem:$0x3FB2]  }
0x2a: {  	p0 =	seq.s32 s5, $0x0;
	s5 =	sld [smem:$0x3FB3]  }
0x2b: {  	s6 =	sld [smem:$0x3FB4]  }
0x2c: {  	s7 =	sld [smem:$0x3FB5]  }
0x2d: {  	s3 =	simm.s32 $0x108;
	s8 =	sld [smem:$0x3FB6]  }
0x2e: {  	s3 =	simm.s32 @!p0 $0x1082;
	s9 =	sld [smem:$0x3FB7]  }
0x2f: {  	lr =	sadd.s32 s0, s3;
	s0 =	sld [smem:$0x3FAE]  }
0x30: {  	s3 =	sld [smem:$0x3FB1]  }
0x31: {  	[smem:$0x3FBA] =	sst s10  }
0x32: {  	s10 =	sld [smem:$0x3FB8];
	_ =	sdelay $0x3  }
0x33: {  	p0 =	seq.s32 s10, $0x1;
	s10 =	sld [smem:$0x3FBA];
	_ =	sdelay $0x3  }
0x34: {  	[smem:$0x3FBA] =	sst s10  }
0x35: {  	s10 =	sld [smem:$0x3FB9];
	_ =	sdelay $0x3  }
0x36: {  	p1 =	seq.s32 s10, $0x1;
	s10 =	sld [smem:$0x3FBA];
	_ =	sdelay $0x3  }
0x37: {  	[smem:$0x3FBA] =	sst s10  }
0x38: {  	s10 =	sld [smem:$0x3FBB]  }
0x39: {  	_ = 	snop;
	(pc) =	sbr.ind lr, $3  }
0x3a: {  	_ = 	snop  }
0x3b: {  	_ = 	snop  }
0x3c: {  	p2 =	seq.s32 s10, $0x1;
	s10 =	sld [smem:$0x3FBA]  }
0x3d: {  	_ =	shalt  }
0x3e: {  	_ =	shalt  }
0x3f: {  	_ =	shalt  }
0x40: {  	_ =	shalt  }
0x41: {  	_ =	shalt  }
0x42: {  	_ =	shalt  }
0x43: {  	_ =	shalt  }
0x44: {  	_ =	shalt  }
0x45: {  	_ =	shalt  }
0x46: {  	_ =	shalt  }
0x47: {  	_ =	shalt  }
0x48: {  	_ =	shalt  }
0x49: {  	_ =	shalt  }
0x4a: {  	_ =	shalt  }
0x4b: {  	_ =	shalt  }
0x4c: {  	_ =	shalt  }
0x4d: {  	_ =	shalt  }
0x4e: {  	_ =	shalt  }
0x4f: {  	_ =	shalt  }
0x50: {  	_ =	shalt  }
0x51: {  	_ =	shalt  }
0x52: {  	_ =	shalt  }
0x53: {  	_ =	shalt  }
0x54: {  	_ =	shalt  }
0x55: {  	_ =	shalt  }
0x56: {  	_ =	shalt  }
0x57: {  	_ =	shalt  }
0x58: {  	_ =	shalt  }
0x59: {  	_ =	shalt  }
0x5a: {  	_ =	shalt  }
0x5b: {  	_ =	shalt  }
0x5c: {  	_ =	shalt  }
0x5d: {  	_ =	shalt  }
0x5e: {  	_ =	shalt  }
0x5f: {  	_ =	shalt  }
0x60: {  	_ =	shalt  }
0x61: {  	_ =	shalt  }
0x62: {  	_ =	shalt  }
0x63: {  	_ =	shalt  }
0x64: {  	_ =	shalt  }
0x65: {  	_ =	shalt  }
0x66: {  	_ =	shalt  }
0x67: {  	_ =	shalt  }
0x68: {  	_ =	shalt  }
0x69: {  	_ =	shalt  }
0x6a: {  	_ =	shalt  }
0x6b: {  	_ =	shalt  }
0x6c: {  	_ =	shalt  }
0x6d: {  	_ =	shalt  }
0x6e: {  	_ =	shalt  }
0x6f: {  	_ =	shalt  }
0x70: {  	_ =	shalt  }
0x71: {  	_ =	shalt  }
0x72: {  	_ =	shalt  }
0x73: {  	_ =	shalt  }
0x74: {  	_ =	shalt  }
0x75: {  	_ =	shalt  }
0x76: {  	_ =	shalt  }
0x77: {  	_ =	shalt  }
0x78: {  	_ =	shalt  }
0x79: {  	_ =	shalt  }
0x7a: {  	_ =	shalt  }
0x7b: {  	_ =	shalt  }
0x7c: {  	_ =	shalt  }
0x7d: {  	_ =	shalt  }
0x7e: {  	_ =	shalt  }
0x7f: {  	_ =	shalt  }
0x80: {  	_ =	shalt  }
0x81: {  	_ =	shalt  }
0x82: {  	_ =	shalt  }
0x83: {  	_ =	shalt  }
0x84: {  	_ =	shalt  }
0x85: {  	_ =	shalt  }
0x86: {  	_ =	shalt  }
0x87: {  	_ =	shalt  }
.Lfunc_end0:
.L_simem_size_0:
called_computation_lowered:
.L_overlay_start_0:
0x88: {  	s2 =	sld [smem:$0x3FD9]  }
0x89: {  	s3 =	sld [smem:$0x3FFE];
	_ =	sdelay $0x1  }
0x8a: {  	s1 =	srdreg.scid  }
0x8b: {  	s0 =	sand.u32 $0x1, s1  }
0x8c: {  	s17 =	sshll.u32 s0, $0xA;
	s2 =	sadd.s32 s3, s2  }
0x8d: {  	s2 =	sadd.s32 s2, s17  }
0x8e: {  	[smem:$0x3FC6] =	sst s2  }
0x8f: {  	_ = 	snop  }
0x90: {  	s2 =	sld [smem:$0x3FC8]  }
0x91: {  	s18 =	sld [smem:$0x3FD0];
	(tm) =	ssettm $0x1  }
0x92: {  	s4 =	sld [smem:$0x3FFB];
	_ =	sdelay $0x3  }
0x93: {  	_ =	strace s4  }
0x94: {  	s4 =	sld [smem:$0x3FFC];
	_ =	sdelay $0x3  }
0x95: {  	_ =	strace s4  }
0x96: {  	s4 =	sld [smem:$0x3FFD];
	_ =	sdelay $0x3  }
0x97: {  	_ =	strace s4  }
0x98: {  	_ =	strace $0x8FFFFFFF  }
0x99: {  	s19 =	sld [smem:$0x3FDB];
	_ =	sdelay $0x1  }
0x9a: {  	s5 =	simm.s32 $_scs_section_size  }
0x9b: {  	s6 =	simm.s32 $_size__tile_overlayer_lowered;
	s7 =	simm.s32 $_tile_overlayer_lowered  }
0x9c: {  	s22 =	simm.s32 $0x1BFF;
	s21 =	sshll.u32 s7, $0x1;
	s4 =	sadd.s32 s5, s19  }
0x9d: {  	s8 =	simm.s32 $0x0;
	s20 =	sshll.u32 s6, $0x1;
	s6 =	sadd.s32 s21, s4  }
0x9e: {  	[timem:s8], [sflag:s22] =	dma.local [hbm:s6], s20  }
0x9f: {  	_ =	swait.ge [sflag:s22], s20  }
0xa0: {  	s5 =	ssub.s32 $0x0, s20;
	[sflag:s22] =	ssyncset.done $0x0  }
0xa1: {  	[sflag:s22] =	ssyncadd.s32 s5;
	_ =	sdelay $0x1  }
0xa2: {  	s23 =	simm.s32 $0x1B8B  }
0xa3: {  	_ =	swait.ge [sflag:s23], $0x1  }
0xa4: {  	[sflag:s23] =	ssyncset.done $0x0  }
0xa5: {  	s25 =	simm.s32 $0x1B8E;
	s24 =	sld [smem:$0x3FFE];
	[sflag:s23] =	ssyncadd.s32 $0xFFFFFFFF  }
0xa6: {  	s26 =	simm.s32 $execute0_lowered;
	[smem:$0x3FD2] =	sst s25  }
0xa7: {  	s6 =	sshll.u32 s26, $0x1;
	_ =	strace $0x80000046;
	[dreg:$0x1] =	wrdreg $0xFFFFFFFF  }
0xa8: {  	s28 =	simm.s32 $_size_execute0_lowered;
	s4 =	sadd.s32 s4, s6;
	[dreg:$0x0] =	wrdreg $0x0  }
0xa9: {  	s6 =	sshll.u32 s28, $0x1;
	[dreg:$0x2] =	wrdreg s4  }
0xaa: {  	[dreg:$0x3] =	wrdreg s6  }
0xab: {  	[dreg:$0x4] =	wrdreg $0xC0  }
0xac: {  	_ =	task [dreg:s8], $0x5FFFF  }
0xad: {  	[dreg:$0x1] =	wrdreg $0xFFFFFFFF  }
0xae: {  	[dreg:$0x0] =	wrdreg $0x60  }
0xaf: {  	[dreg:$0x2] =	wrdreg s24  }
0xb0: {  	[dreg:$0x3] =	wrdreg s2  }
0xb1: {  	[dreg:$0x4] =	wrdreg s18  }
0xb2: {  	[dreg:$0x5] =	wrdreg $0x9  }
0xb3: {  	_ =	task.clear_ibuf [dreg:s8], $0x6FFFF;
	_ =	strace $0x90000046  }
0xb4: {  	s29 =	simm.s32 $0x9;
	_ =	strace $0x80000048  }
0xb5: {  	_ =	swait.ge [sflag:s29], $0x1  }
0xb6: {  	[sflag:s29] =	ssyncadd.s32 $0xFFFFFFFF  }
0xb7: {  	_ =	strace $0x90000048  }
0xb8: {  	_ =	sfence  }
0xb9: {  	s30 =	sld [smem:$0x0];
	_ =	sdelay $0x2  }
0xba: {  	s31 =	sshll.u32 s1, $0xD;
	s1 =	sshrl.u32 s1, $0x2  }
0xbb: {  	s3 =	sand.u32 $0x4000, s31;
	s1 =	sadd.s32 s1, s30  }
0xbc: {  	s0 =	sor.u32 s3, s0;
	s1 =	sshll.u32 s1, $0x11  }
0xbd: {  	s0 =	sor.u32 s1, s0  }
0xbe: {  	s0 =	sadd.s32 $0x8F2B, s0  }
0xbf: {  	[sflag:s0] =	ssyncadd.remote.s32 $0x1  }
0xc0: {  	_ =	sfence.sel $0xFFFF  }
0xc1: {  	[dreg:$0x0] =	wrdreg $0xFFFFFFFF;
	(pc) =	sbr.abs _section_cstart, $3  }
0xc2: {  	[dreg:$0x1] =	wrdreg $0xFFFFFFFF  }
0xc3: {  	_ =	task.clear_ibuf [dreg:s8], $0x2FFFF;
	_ =	strace $0x9FFFFFFF  }
0xc4: {  	(tm) =	ssettm $0x7FFFFFFF  }
0xc5: {  	_ =	shalt  }
tec
execute0_lowered:
.L_overlay_start_1:
0x0: {  	(tag) =	ssettag $0x1  }
0x1: {  	s0 =	rddreg [dreg:$0x0]  }
0x2: {  	s2 =	rddreg [dreg:$0x1]  }
0x3: {  	s1 =	srdreg.scid;
	s7 =	stileid.u32  }
0x4: {  	s4 =	rddreg [dreg:$0x2];
	s3 =	simm.s32 $0x0;
	s18 =	simm.s32 $0x1900  }
0x5: {  	s20 =	simm.s32 $0x3900;
	s14 =	simm.s32 $0x5900;
	s16 =	simm.s32 $0x7900  }
0x6: {  	s22 =	simm.s32 $0x9900;
	s28 =	simm.s32 $0xF900;
	s29 =	simm.s32 $0x11900  }
0x7: {  	s30 =	simm.s32 $0x3;
	s31 =	simm.s32 $0x4;
	s11 =	simm.s32 $0x7  }
0x8: {  	s13 =	simm.s32 $0x8;
	s15 =	simm.s32 $0x9;
	s17 =	simm.s32 $0xA  }
0x9: {  	s19 =	simm.s32 $0xB;
	s21 =	simm.s32 $0xC;
	s23 =	simm.s32 $0xD  }
0xa: {  	s9 =	simm.s32 $0x13;
	s10 =	simm.s32 $0x14;
	s12 =	simm.s32 $0x0  }
0xb: {  	s1 =	sand.u32 $0x1, s1;
	s5 =	sshll.u32 s7, $0x1;
	[smem:$0x7FF] =	sst s3  }
0xc: {  	s7 =	smul.u32 $0x32000, s7;
	s5 =	sor.u32 s1, s5;
	_ =	strace $0x80000047  }
0xd: {  	s6 =	ssub.s32 $0x2, s1;
	s1 =	smul.u32 $0x19000, s1;
	[dreg:$0x7] =	wrdreg s12  }
0xe: {  	s5 =	smul.u32 $0x1900, s5;
	s8 =	sshrl.u32 s6, $0x1;
	s4 =	sadd.s32 s7, s4  }
0xf: {  	s7 =	simm.s32 $0x12;
	s24 =	ssub.s32 s6, s8;
	s26 =	sadd.s32 s1, s4  }
0x10: {  	s8 =	simm.s32 $0x40;
	s1 =	simm.s32 $0x5;
	s4 =	simm.s32 $0xF  }
.Ltmp0:
0x11: {  	s6 =	simm.s32 $0x11;
	s5 =	sshrl.u32 s5, $0x3;
	(pc) =	sbr.rel .LBB2_1-.Ltmp0, $4  }
0x12: {  	s25 =	smax.u32 s24, $0x1;
	s24 =	simm.s32 $0xB900;
	s0 =	sadd.s32 s5, s0  }
0x13: {  	[dreg:$0x5] =	wrdreg s25;
	s25 =	simm.s32 $0xE;
	s0 =	sadd.s32 $0x400, s0  }
0x14: {  	s5 =	simm.s32 $0x10;
	[dreg:$0x4] =	wrdreg s0;
	s0 =	sadd.s32 $0x2400, s26  }
0x15: {  	s26 =	simm.s32 $0xD900;
	[dreg:$0x6] =	wrdreg s0;
	s0 =	simm.s32 $0x6  }
.LBB2_4:
0x16: {  	_ =	swait.ge [sflag:s21], $0x2000  }
0x17: {  	[sflag:s21] =	ssyncset.done $0x0  }
0x18: {  	[sflag:s21] =	ssyncadd.s32 $0xFFFFE000  }
0x19: {  	_ =	swait.ge [sflag:s23], $0x2000  }
0x1a: {  	[sflag:s23] =	ssyncset.done $0x0  }
0x1b: {  	[sflag:s23] =	ssyncadd.s32 $0xFFFFE000  }
0x1c: {  	_ =	swait.ge [sflag:s25], $0x2000  }
0x1d: {  	[sflag:s25] =	ssyncset.done $0x0  }
0x1e: {  	[sflag:s25] =	ssyncadd.s32 $0xFFFFE000  }
0x1f: {  	_ =	swait.ge [sflag:s4], $0x2000  }
0x20: {  	[sflag:s4] =	ssyncset.done $0x0  }
0x21: {  	[sflag:s4] =	ssyncadd.s32 $0xFFFFE000  }
0x22: {  	_ =	swait.ge [sflag:s5], $0x2000  }
0x23: {  	[sflag:s5] =	ssyncset.done $0x0  }
0x24: {  	[sflag:s5] =	ssyncadd.s32 $0xFFFFE000  }
0x25: {  	_ =	swait.ge [sflag:s6], $0x2000  }
0x26: {  	[sflag:s6] =	ssyncset.done $0x0  }
0x27: {  	[sflag:s6] =	ssyncadd.s32 $0xFFFFE000  }
0x28: {  	_ =	swait.ge [sflag:s7], $0x2000  }
0x29: {  	[sflag:s7] =	ssyncset.done $0x0  }
0x2a: {  	[sflag:s7] =	ssyncadd.s32 $0xFFFFE000  }
0x2b: {  	_ =	swait.ge [sflag:s9], $0x2000  }
0x2c: {  	[sflag:s9] =	ssyncset.done $0x0  }
0x2d: {  	[sflag:s9] =	ssyncadd.s32 $0xFFFFE000  }
0x2e: {  	_ =	swait.ge [sflag:s10], $0x2000  }
0x2f: {  	s14 =	rddreg [dreg:$0x7]  }
0x30: {  	s12 =	rddreg [dreg:$0x5];
	s14 =	sadd.s32 $0x1, s14  }
0x31: {  	p0 =	sne.s32 s14, s12  }
.Ltmp1:
0x32: {  	_ = 	snop;
	(pc) =	sbr.rel @!p0 .LBB2_5-.Ltmp1, $4  }
0x33: {  	s16 =	simm.s32 $0x7900  }
0x34: {  	s22 =	simm.s32 $0x9900;
	s24 =	simm.s32 $0xB900;
	s26 =	simm.s32 $0xD900  }
0x35: {  	s28 =	simm.s32 $0xF900;
	s29 =	simm.s32 $0x11900;
	[sflag:s10] =	ssyncset.done $0x0  }
0x36: {  	[sflag:s10] =	ssyncadd.s32 $0xFFFFE000;
	[dreg:$0x7] =	wrdreg s14;
	s14 =	simm.s32 $0x5900  }
.LBB2_1:
0x37: {  	s12 =	rddreg [dreg:$0x4]  }
0x38: {  	[tilespmem:s3], [sflag:$0x15] =	stream.linear.gather [hbm4b:s12+s3], $0x1900, $0x38;
	[tilespmem:$0x15900] =	vst v63  }
0x39: {  	s12 =	simm.s32 $0x15  }
0x3a: {  	_ =	swait.ge [sflag:s12], $0x1900  }
0x3b: {  	[sflag:s12] =	ssyncset.done $0x0  }
0x3c: {  	[sflag:s12] =	ssyncadd.s32 $0xFFFFE700  }
0x3d: {  	[tilespmem:s18], [sflag:$0x1] =	stream.indirect.gather [hbm4b:s2+s8], $0x80, s3, s8, $0xb8;
	[tilespmem:$0x15900] =	vst v63  }
0x3e: {  	_ = 	snop  }
0x3f: {  	[tilespmem:s20], [sflag:$0x2] =	stream.indirect.gather [hbm4b:s2+s8], $0x80, s8, s8, $0xb8;
	[tilespmem:$0x15900] =	vst v63  }
0x40: {  	s12 =	simm.s32 $0x80  }
0x41: {  	[tilespmem:s14], [sflag:$0x3] =	stream.indirect.gather [hbm4b:s2+s8], $0x80, s12, s8, $0xb8;
	[tilespmem:$0x15900] =	vst v63  }
0x42: {  	s14 =	simm.s32 $0xC0  }
0x43: {  	[tilespmem:s16], [sflag:$0x4] =	stream.indirect.gather [hbm4b:s2+s8], $0x80, s14, s8, $0xb8;
	[tilespmem:$0x15900] =	vst v63  }
0x44: {  	s16 =	simm.s32 $0x100  }
0x45: {  	[tilespmem:s22], [sflag:$0x5] =	stream.indirect.gather [hbm4b:s2+s8], $0x80, s16, s8, $0xb8;
	[tilespmem:$0x15900] =	vst v63  }
0x46: {  	s22 =	simm.s32 $0x140  }
0x47: {  	[tilespmem:s24], [sflag:$0x6] =	stream.indirect.gather [hbm4b:s2+s8], $0x80, s22, s8, $0xb8;
	[tilespmem:$0x15900] =	vst v63  }
0x48: {  	s14 =	simm.s32 $0x180  }
0x49: {  	[tilespmem:s26], [sflag:$0x7] =	stream.indirect.gather [hbm4b:s2+s8], $0x80, s14, s8, $0xb8;
	[tilespmem:$0x15900] =	vst v63  }
0x4a: {  	s16 =	simm.s32 $0x1C0  }
0x4b: {  	[tilespmem:s28], [sflag:$0x8] =	stream.indirect.gather [hbm4b:s2+s8], $0x80, s16, s8, $0xb8;
	[tilespmem:$0x15900] =	vst v63  }
0x4c: {  	s12 =	rddreg [dreg:$0x6];
	s22 =	simm.s32 $0x200;
	s24 =	simm.s32 $0x240  }
0x4d: {  	[tilespmem:s29], [sflag:$0x9] =	stream.indirect.gather [hbm4b:s2+s8], $0x80, s22, s8, $0xb8;
	[tilespmem:$0x15900] =	vst v63  }
0x4e: {  	s26 =	simm.s32 $0x13900;
	s14 =	simm.s32 $0x0;
	s28 =	simm.s32 $0xB900  }
0x4f: {  	[tilespmem:s26], [sflag:$0xA] =	stream.indirect.gather [hbm4b:s2+s8], $0x80, s24, s8, $0xb8;
	[tilespmem:$0x15900] =	vst v63  }
0x50: {  	s22 =	simm.s32 $0x11900;
	s29 =	simm.s32 $0xF900;
	s24 =	simm.s32 $0x7900  }
.LBB2_2:
0x51: {  	s16 =	simm.s32 $0x1  }
0x52: {  	_ =	swait.ge [sflag:s16], $0x2000  }
0x53: {  	[sflag:s16] =	ssyncset.done $0x0  }
0x54: {  	s26 =	sadd.s32 $0xFFFFDC00, s12;
	[sflag:s16] =	ssyncadd.s32 $0xFFFFE000  }
0x55: {  	[hbm4b:s26+s3] =	stream.linear.scatter [tilespmem:s18], [sflag:$0xB], $0x2000, $0x38;
	[tilespmem:$0x15900] =	vst v63  }
0x56: {  	s26 =	simm.s32 $0x2  }
0x57: {  	_ =	swait.ge [sflag:s26], $0x2000  }
0x58: {  	[sflag:s26] =	ssyncset.done $0x0  }
0x59: {  	[sflag:s26] =	ssyncadd.s32 $0xFFFFE000;
	s26 =	sadd.s32 $0xFFFFE000, s12  }
0x5a: {  	[hbm4b:s26+s3] =	stream.linear.scatter [tilespmem:s20], [sflag:$0xC], $0x2000, $0x38;
	[tilespmem:$0x15900] =	vst v63  }
0x5b: {  	_ =	swait.ge [sflag:s30], $0x2000  }
0x5c: {  	[sflag:s30] =	ssyncset.done $0x0  }
0x5d: {  	s16 =	sadd.s32 $0xFFFFE400, s12;
	s26 =	simm.s32 $0x5900;
	[sflag:s30] =	ssyncadd.s32 $0xFFFFE000  }
0x5e: {  	[hbm4b:s16+s3] =	stream.linear.scatter [tilespmem:s26], [sflag:$0xD], $0x2000, $0x38;
	[tilespmem:$0x15900] =	vst v63  }
0x5f: {  	_ =	swait.ge [sflag:s31], $0x2000  }
0x60: {  	[sflag:s31] =	ssyncset.done $0x0  }
0x61: {  	s26 =	sadd.s32 $0xFFFFE800, s12;
	[sflag:s31] =	ssyncadd.s32 $0xFFFFE000  }
0x62: {  	[hbm4b:s26+s3] =	stream.linear.scatter [tilespmem:s24], [sflag:$0xE], $0x2000, $0x38;
	[tilespmem:$0x15900] =	vst v63  }
0x63: {  	_ =	swait.ge [sflag:s1], $0x2000  }
0x64: {  	[sflag:s1] =	ssyncset.done $0x0  }
0x65: {  	s16 =	sadd.s32 $0xFFFFEC00, s12;
	s26 =	simm.s32 $0x9900;
	[sflag:s1] =	ssyncadd.s32 $0xFFFFE000  }
0x66: {  	[hbm4b:s16+s3] =	stream.linear.scatter [tilespmem:s26], [sflag:$0xF], $0x2000, $0x38;
	[tilespmem:$0x15900] =	vst v63  }
0x67: {  	_ =	swait.ge [sflag:s0], $0x2000  }
0x68: {  	[sflag:s0] =	ssyncset.done $0x0  }
0x69: {  	s26 =	sadd.s32 $0xFFFFF000, s12;
	[sflag:s0] =	ssyncadd.s32 $0xFFFFE000  }
0x6a: {  	[hbm4b:s26+s3] =	stream.linear.scatter [tilespmem:s28], [sflag:$0x10], $0x2000, $0x38;
	[tilespmem:$0x15900] =	vst v63  }
0x6b: {  	_ =	swait.ge [sflag:s11], $0x2000  }
0x6c: {  	[sflag:s11] =	ssyncset.done $0x0  }
0x6d: {  	s16 =	sadd.s32 $0xFFFFF400, s12;
	s26 =	simm.s32 $0xD900;
	[sflag:s11] =	ssyncadd.s32 $0xFFFFE000  }
0x6e: {  	[hbm4b:s16+s3] =	stream.linear.scatter [tilespmem:s26], [sflag:$0x11], $0x2000, $0x38;
	[tilespmem:$0x15900] =	vst v63  }
0x6f: {  	_ =	swait.ge [sflag:s13], $0x2000  }
0x70: {  	[sflag:s13] =	ssyncset.done $0x0  }
0x71: {  	s26 =	sadd.s32 $0xFFFFF800, s12;
	[sflag:s13] =	ssyncadd.s32 $0xFFFFE000  }
0x72: {  	[hbm4b:s26+s3] =	stream.linear.scatter [tilespmem:s29], [sflag:$0x12], $0x2000, $0x38;
	[tilespmem:$0x15900] =	vst v63  }
0x73: {  	_ =	swait.ge [sflag:s15], $0x2000  }
0x74: {  	[sflag:s15] =	ssyncset.done $0x0  }
0x75: {  	s26 =	sadd.s32 $0xFFFFFC00, s12;
	[sflag:s15] =	ssyncadd.s32 $0xFFFFE000  }
0x76: {  	[hbm4b:s26+s3] =	stream.linear.scatter [tilespmem:s22], [sflag:$0x13], $0x2000, $0x38;
	[tilespmem:$0x15900] =	vst v63  }
0x77: {  	_ =	swait.ge [sflag:s17], $0x2000  }
0x78: {  	p0 =	seq.s32 s14, $0x5A00;
	[sflag:s17] =	ssyncset.done $0x0  }
.Ltmp2:
0x79: {  	s26 =	simm.s32 $0x13900;
	[sflag:s17] =	ssyncadd.s32 $0xFFFFE000;
	(pc) =	sbr.rel @p0 .LBB2_4-.Ltmp2, $4  }
0x7a: {  	[hbm4b:s12+s3] =	stream.linear.scatter [tilespmem:s26], [sflag:$0x14], $0x2000, $0x38;
	[tilespmem:$0x15900] =	vst v63  }
0x7b: {  	_ =	swait.ge [sflag:s19], $0x2000  }
0x7c: {  	[sflag:s19] =	ssyncset.done $0x0  }
0x7d: {  	[sflag:s19] =	ssyncadd.s32 $0xFFFFE000  }
0x7e: {  	s16 =	sshra.s32 s14, $0x2  }
0x7f: {  	s20 =	simm.s32 $0x1900;
	s18 =	sadd.s32 $0x280, s16  }
0x80: {  	[tilespmem:s20], [sflag:$0x1] =	stream.indirect.gather [hbm4b:s2+s8], $0x80, s18, s8, $0xb8;
	[tilespmem:$0x15900] =	vst v63  }
0x81: {  	_ =	swait.ge [sflag:s21], $0x2000  }
0x82: {  	[sflag:s21] =	ssyncset.done $0x0  }
0x83: {  	s26 =	sadd.s32 $0x2C0, s16;
	s20 =	simm.s32 $0x3900;
	[sflag:s21] =	ssyncadd.s32 $0xFFFFE000  }
0x84: {  	[tilespmem:s20], [sflag:$0x2] =	stream.indirect.gather [hbm4b:s2+s8], $0x80, s26, s8, $0xb8;
	[tilespmem:$0x15900] =	vst v63  }
0x85: {  	_ =	swait.ge [sflag:s23], $0x2000  }
0x86: {  	[sflag:s23] =	ssyncset.done $0x0  }
0x87: {  	s18 =	sadd.s32 $0x300, s16;
	s26 =	simm.s32 $0x5900;
	[sflag:s23] =	ssyncadd.s32 $0xFFFFE000  }
0x88: {  	[tilespmem:s26], [sflag:$0x3] =	stream.indirect.gather [hbm4b:s2+s8], $0x80, s18, s8, $0xb8;
	[tilespmem:$0x15900] =	vst v63  }
0x89: {  	_ =	swait.ge [sflag:s25], $0x2000  }
0x8a: {  	[sflag:s25] =	ssyncset.done $0x0  }
0x8b: {  	s26 =	sadd.s32 $0x340, s16;
	[sflag:s25] =	ssyncadd.s32 $0xFFFFE000  }
0x8c: {  	[tilespmem:s24], [sflag:$0x4] =	stream.indirect.gather [hbm4b:s2+s8], $0x80, s26, s8, $0xb8;
	[tilespmem:$0x15900] =	vst v63  }
0x8d: {  	_ =	swait.ge [sflag:s4], $0x2000  }
0x8e: {  	[sflag:s4] =	ssyncset.done $0x0  }
0x8f: {  	s18 =	sadd.s32 $0x380, s16;
	s26 =	simm.s32 $0x9900;
	[sflag:s4] =	ssyncadd.s32 $0xFFFFE000  }
0x90: {  	[tilespmem:s26], [sflag:$0x5] =	stream.indirect.gather [hbm4b:s2+s8], $0x80, s18, s8, $0xb8;
	[tilespmem:$0x15900] =	vst v63  }
0x91: {  	_ =	swait.ge [sflag:s5], $0x2000  }
0x92: {  	[sflag:s5] =	ssyncset.done $0x0  }
0x93: {  	s26 =	sadd.s32 $0x3C0, s16;
	[sflag:s5] =	ssyncadd.s32 $0xFFFFE000  }
0x94: {  	[tilespmem:s28], [sflag:$0x6] =	stream.indirect.gather [hbm4b:s2+s8], $0x80, s26, s8, $0xb8;
	[tilespmem:$0x15900] =	vst v63  }
0x95: {  	_ =	swait.ge [sflag:s6], $0x2000  }
0x96: {  	[sflag:s6] =	ssyncset.done $0x0  }
0x97: {  	s18 =	sadd.s32 $0x400, s16;
	s26 =	simm.s32 $0xD900;
	[sflag:s6] =	ssyncadd.s32 $0xFFFFE000  }
0x98: {  	[tilespmem:s26], [sflag:$0x7] =	stream.indirect.gather [hbm4b:s2+s8], $0x80, s18, s8, $0xb8;
	[tilespmem:$0x15900] =	vst v63  }
0x99: {  	_ =	swait.ge [sflag:s7], $0x2000  }
0x9a: {  	[sflag:s7] =	ssyncset.done $0x0  }
0x9b: {  	s26 =	sadd.s32 $0x440, s16;
	[sflag:s7] =	ssyncadd.s32 $0xFFFFE000  }
0x9c: {  	[tilespmem:s29], [sflag:$0x8] =	stream.indirect.gather [hbm4b:s2+s8], $0x80, s26, s8, $0xb8;
	[tilespmem:$0x15900] =	vst v63  }
0x9d: {  	_ =	swait.ge [sflag:s9], $0x2000  }
0x9e: {  	[sflag:s9] =	ssyncset.done $0x0  }
0x9f: {  	s26 =	sadd.s32 $0x480, s16;
	[sflag:s9] =	ssyncadd.s32 $0xFFFFE000  }
0xa0: {  	[tilespmem:s22], [sflag:$0x9] =	stream.indirect.gather [hbm4b:s2+s8], $0x80, s26, s8, $0xb8;
	[tilespmem:$0x15900] =	vst v63  }
.Ltmp3:
0xa1: {  	_ = 	snop;
	(pc) =	sbr.rel .LBB2_2-.Ltmp3, $4  }
0xa2: {  	s14 =	sadd.s32 $0xA00, s14;
	_ =	swait.ge [sflag:s10], $0x2000  }
0xa3: {  	s12 =	sadd.s32 $0x2800, s12;
	s18 =	simm.s32 $0x1900;
	[sflag:s10] =	ssyncset.done $0x0  }
0xa4: {  	s16 =	sadd.s32 $0x4C0, s16;
	s26 =	simm.s32 $0x13900;
	[sflag:s10] =	ssyncadd.s32 $0xFFFFE000  }
0xa5: {  	[tilespmem:s26], [sflag:$0xA] =	stream.indirect.gather [hbm4b:s2+s8], $0x80, s16, s8, $0xb8;
	[tilespmem:$0x15900] =	vst v63  }
.LBB2_5:
0xa6: {  	_ =	sfence.sel $0x180000  }
0xa7: {  	[bflag:$0x0] =	sbarrier.arrive $0xFFFF  }
0xa8: {  	_ =	strace $0x90000047  }
0xa9: {  	s0 =	stileid.u32;
	[bflag:$0x2] =	sbarrier.arrive $0xFFFF  }
0xaa: {  	p0 =	sne.s32 s0, $0x0;
	s0 =	rddreg [dreg:$0x3]  }
0xab: {  	s0 =	sadd.s32 @!p0 $0x100000, s0  }
0xac: {  	[sflag:s0] =	ssyncadd.tile.s32 @!p0 $0x1;
	_ =	shalt  }
.Lfunc_end2:
_tile_overlayer_lowered:
.L_overlay_start_2:
0xad: {  	(tag) =	ssettag $0x2  }
0xae: {  	s0 =	rddreg [dreg:$0x0];
	s2 =	stileid.u32  }
0xaf: {  	s1 =	rddreg [dreg:$0x1];
	p0 =	sne.s32 s2, $0x0  }
0xb0: {  	s3 =	rddreg [dreg:$0x2];
	[bflag:$0x3] =	sbarrier.arrive $0xFFFF;
	s2 =	simm.s32 @!p0 $0x1C15  }
0xb1: {  	[timem:s3], [sflag:s2] =	dma.local @!p0 [hbm:s0], s1  }
0xb2: {  	s0 =	simm.s32 @!p0 $0x15  }
0xb3: {  	_ =	swait.ge @!p0 [sflag:s0], s1  }
0xb4: {  	s1 =	ssub.s32 @!p0 $0x0, s1;
	[sflag:s0] =	ssyncset.done @!p0 $0x0  }
0xb5: {  	[sflag:s0] =	ssyncadd.s32 @!p0 s1  }
0xb6: {  	[bflag:$0x3] =	sbarrier.arrive $0xFFFF  }
0xb7: {  	_ =	shalt  }

</sc_bundles>
